<compile_context>
chip_gen: v7x
topology: tpu7x:2x2x1
jax: 0.10.2.dev20260603
libtpu: 0.0.44.dev20260713+nightly
codegen_flags: <defaults>
</compile_context>

<pallas_src>
import functools

import jax
import jax.numpy as jnp
from jax import lax
from jax.experimental import pallas as pl
from jax.experimental.pallas import tpu as pltpu
from jax.experimental.pallas import tpu_sc as plsc

EMBED = 64
SEQ = 200
BATCH = 4096
HALF = BATCH // 2
MID_W = 128
MID_ROWS = SEQ * HALF
NC, NS = 2, 16
NW = NC * NS
B2 = HALF // NW
SCALE = 8.0
NBUF = 8
PREF = 4
SBLK = 5


def _sc_gather(idx_t, table):
  mesh = plsc.VectorSubcoreMesh(core_axis_name="c", subcore_axis_name="s")

  @functools.partial(
      pl.kernel,
      mesh=mesh,
      compiler_params=pltpu.CompilerParams(use_tc_tiling_on_sc=False),
      out_type=jax.ShapeDtypeStruct((MID_ROWS, MID_W), jnp.float32),
      scratch_types=[
          pltpu.VMEM((SEQ, B2), jnp.int32),
          pltpu.VMEM((SEQ, B2), jnp.int32),
          [pltpu.VMEM((B2, EMBED), jnp.float32)] * NBUF,
          [pltpu.VMEM((B2, EMBED), jnp.float32)] * NBUF,
          [pltpu.SemaphoreType.DMA] * NBUF,
          [pltpu.SemaphoreType.DMA] * NBUF,
      ],
  )
  def k(idx_hbm, table_hbm, mid_hbm, idx_lo, idx_hi, blo, bhi, gsem, ssem):
    wid = lax.axis_index("s") * NC + lax.axis_index("c")
    b0 = wid * B2
    pltpu.sync_copy(idx_hbm.at[:, pl.ds(b0, B2)], idx_lo)
    pltpu.sync_copy(idx_hbm.at[:, pl.ds(HALF + b0, B2)], idx_hi)

    def start_gather(s, b):
      pltpu.async_copy(table_hbm.at[idx_lo.at[s]], blo[b], gsem[b])
      pltpu.async_copy(table_hbm.at[idx_hi.at[s]], bhi[b], gsem[b])

    def wait_gather(b):
      pltpu.make_async_copy(table_hbm.at[idx_lo.at[0]], blo[b], gsem[b]).wait()
      pltpu.make_async_copy(table_hbm.at[idx_hi.at[0]], bhi[b], gsem[b]).wait()

    def start_scatter(s, b):
      r0 = s * HALF + b0
      pltpu.async_copy(
          blo[b], mid_hbm.at[pl.ds(r0, B2), pl.ds(0, EMBED)], ssem[b])
      pltpu.async_copy(
          bhi[b], mid_hbm.at[pl.ds(r0, B2), pl.ds(EMBED, EMBED)], ssem[b])

    def wait_scatter(b):
      pltpu.make_async_copy(
          blo[b], mid_hbm.at[pl.ds(0, B2), pl.ds(0, EMBED)], ssem[b]).wait()
      pltpu.make_async_copy(
          bhi[b], mid_hbm.at[pl.ds(0, B2), pl.ds(EMBED, EMBED)], ssem[b]).wait()

    for j in range(PREF):
      start_gather(j, j)

    def step(i, carry):
      for b in range(NBUF):
        s = i * NBUF + b
        wait_gather(b)
        nb = (b + PREF) % NBUF

        @pl.when(s >= PREF)
        def _():
          wait_scatter(nb)

        @pl.when(s + PREF < SEQ)
        def _():
          start_gather(s + PREF, nb)

        start_scatter(s, b)
      return carry

    lax.fori_loop(0, SEQ // NBUF, step, 0)
    for j in range(PREF):
      wait_scatter((SEQ - PREF + j) % NBUF)

  return k(idx_t, table)


def _tc_finish(mid3, pos):
  def body(in_ref, pos_ref, out_ref):
    r = lax.broadcasted_iota(jnp.int32, (EMBED, EMBED), 0)
    c = lax.broadcasted_iota(jnp.int32, (EMBED, EMBED), 1)
    eye = jnp.where(r == c, SCALE, 0.0).astype(jnp.float32)
    for i in range(SBLK):
      x = in_ref[i]
      p = pos_ref[pl.ds(pl.program_id(0) * SBLK + i, 1), :]
      for h in range(2):
        v = x[:, h * EMBED:(h + 1) * EMBED]
        y = lax.dot_general(eye, v, (((1,), (1,)), ((), ())),
                            preferred_element_type=jnp.float32)
        out_ref[i, :, pl.ds(h * HALF, HALF)] = y + p.T

  return pl.pallas_call(
      body,
      grid=(SEQ // SBLK,),
      in_specs=[
          pl.BlockSpec((SBLK, HALF, MID_W), lambda s: (s, 0, 0)),
          pl.BlockSpec((512, EMBED), lambda s: (0, 0)),
      ],
      out_specs=pl.BlockSpec((SBLK, EMBED, BATCH), lambda s: (s, 0, 0)),
      out_shape=jax.ShapeDtypeStruct((SEQ, EMBED, BATCH), jnp.float32),
  )(mid3, pos)


def kernel(input_tensor, src_table, pos_table):
  idx_t = input_tensor.T.astype(jnp.int32)
  mid = _sc_gather(idx_t, src_table)
  mid3 = mid.reshape(SEQ, HALF, MID_W)
  out_t = _tc_finish(mid3, pos_table)
  return jnp.transpose(out_t, (2, 0, 1))

# --- scband reference (transcript-rebuilt; emitter-appended) ---
"""Pipeline reference for scband-model-embeddings-11055245820079 (READ-ONLY COPY).

The authoritative reference and input builder live on the scoring server;
editing this copy changes nothing except your own understanding.
"""

import jax, jax.numpy as jnp
import numpy as np
import math

VOCAB = 100000
EMBED = 64
MAX_LEN = 512
BATCH = 4096
SEQ = 200

def setup_inputs(seed: int = 0) -> dict:
    key = jax.random.key(seed)
    k1, k2, k3 = jax.random.split(key, 3)
    input_tensor = jax.random.randint(k1, (BATCH, SEQ), 0, VOCAB, dtype=jnp.int64 if jax.config.jax_enable_x64 else jnp.int32)
    src_table = jax.random.normal(k2, (VOCAB, EMBED), dtype=jnp.float32)
    # pad row zeroed (nn.Embedding padding_idx initializes pad row to zeros)
    src_table = src_table.at[0].set(0.0)
    pos_table = jax.random.normal(k3, (MAX_LEN, EMBED), dtype=jnp.float32)
    return {"input_tensor": input_tensor, "src_table": src_table, "pos_table": pos_table}

def reference(input_tensor, src_table, pos_table):
    # embedding lookup (is_source=True path)
    x = jnp.take(src_table, input_tensor, axis=0)  # [B, S, E]
    x = x * math.sqrt(EMBED)
    seq_len = input_tensor.shape[1]
    positions = jnp.arange(seq_len)
    pos_emb = jnp.take(pos_table, positions, axis=0)[None, :, :]  # [1, S, E]
    return x + pos_emb

if __name__ == "__main__":
    import jax
    _d = setup_inputs()
    print(jax.jit(kernel)(*tuple(_d.values())))

</pallas_src>

<mosaic_0001>
#map = affine_map<(d0, d1) -> (0, 0)>
module attributes {stable_mosaic.version = 14 : i64} {
  func.func @k(%arg0: i32, %arg1: i32, %arg2: memref<200x4096xi32, #tpu.memory_space<hbm>>, %arg3: memref<100000x64xf32, #tpu.memory_space<hbm>>, %arg4: memref<409600x128xf32, #tpu.memory_space<hbm>>, %arg5: memref<200x64xi32, #tpu.memory_space<vmem>>, %arg6: memref<200x64xi32, #tpu.memory_space<vmem>>, %arg7: memref<64x64xf32, #tpu.memory_space<vmem>>, %arg8: memref<64x64xf32, #tpu.memory_space<vmem>>, %arg9: memref<64x64xf32, #tpu.memory_space<vmem>>, %arg10: memref<64x64xf32, #tpu.memory_space<vmem>>, %arg11: memref<64x64xf32, #tpu.memory_space<vmem>>, %arg12: memref<64x64xf32, #tpu.memory_space<vmem>>, %arg13: memref<64x64xf32, #tpu.memory_space<vmem>>, %arg14: memref<64x64xf32, #tpu.memory_space<vmem>>, %arg15: memref<64x64xf32, #tpu.memory_space<vmem>>, %arg16: memref<64x64xf32, #tpu.memory_space<vmem>>, %arg17: memref<64x64xf32, #tpu.memory_space<vmem>>, %arg18: memref<64x64xf32, #tpu.memory_space<vmem>>, %arg19: memref<64x64xf32, #tpu.memory_space<vmem>>, %arg20: memref<64x64xf32, #tpu.memory_space<vmem>>, %arg21: memref<64x64xf32, #tpu.memory_space<vmem>>, %arg22: memref<64x64xf32, #tpu.memory_space<vmem>>, %arg23: memref<!tpu.dma_semaphore, #tpu.memory_space<semaphore_mem>>, %arg24: memref<!tpu.dma_semaphore, #tpu.memory_space<semaphore_mem>>, %arg25: memref<!tpu.dma_semaphore, #tpu.memory_space<semaphore_mem>>, %arg26: memref<!tpu.dma_semaphore, #tpu.memory_space<semaphore_mem>>, %arg27: memref<!tpu.dma_semaphore, #tpu.memory_space<semaphore_mem>>, %arg28: memref<!tpu.dma_semaphore, #tpu.memory_space<semaphore_mem>>, %arg29: memref<!tpu.dma_semaphore, #tpu.memory_space<semaphore_mem>>, %arg30: memref<!tpu.dma_semaphore, #tpu.memory_space<semaphore_mem>>, %arg31: memref<!tpu.dma_semaphore, #tpu.memory_space<semaphore_mem>>, %arg32: memref<!tpu.dma_semaphore, #tpu.memory_space<semaphore_mem>>, %arg33: memref<!tpu.dma_semaphore, #tpu.memory_space<semaphore_mem>>, %arg34: memref<!tpu.dma_semaphore, #tpu.memory_space<semaphore_mem>>, %arg35: memref<!tpu.dma_semaphore, #tpu.memory_space<semaphore_mem>>, %arg36: memref<!tpu.dma_semaphore, #tpu.memory_space<semaphore_mem>>, %arg37: memref<!tpu.dma_semaphore, #tpu.memory_space<semaphore_mem>>, %arg38: memref<!tpu.dma_semaphore, #tpu.memory_space<semaphore_mem>>) attributes {dimension_semantics = [#tpu.dimension_semantics<core_parallel>, #tpu.dimension_semantics<subcore_parallel>], iteration_bounds = array<i64: 2, 16>, scalar_prefetch = 0 : i64, scratch_operands = 34 : i64, tpu.core_type = #tpu.core_type<sc_vector_subcore>, window_params = [{transform_indices = #map}, {transform_indices = #map}, {transform_indices = #map}]} {
    %mul3A = arith.constant 2 : i32
    %mul3A_0 = arith.muli %arg1, %mul3A : i32
    %add3A = arith.addi %mul3A_0, %arg0 : i32
    %mul3A_1 = arith.constant 64 : i32
    %mul3A_2 = arith.muli %add3A, %mul3A_1 : i32
    "tpu.region"() ({
      %run_scoped3A = tpu.sem_alloc : memref<!tpu.dma_semaphore, #tpu.memory_space<semaphore_mem>>
      %dma_start3A_112 = arith.constant 0 : i32
      %dma_start3A_113 = tpu.memref_slice %arg2[%dma_start3A_112, %mul3A_2] : memref<200x4096xi32, #tpu.memory_space<hbm>> -> memref<200x64xi32, #tpu.memory_space<hbm>>
      %dma_start3A_114 = arith.constant 0 : i32
      %dma_start3A_115 = tpu.memref_slice %arg2[%dma_start3A_114, %mul3A_2] : memref<200x4096xi32, #tpu.memory_space<hbm>> -> memref<200x64xi32, #tpu.memory_space<hbm>>
      tpu.enqueue_dma source(%dma_start3A_115 : memref<200x64xi32, #tpu.memory_space<hbm>>) target(%arg5 : memref<200x64xi32, #tpu.memory_space<vmem>>) target_semaphore(%run_scoped3A : memref<!tpu.dma_semaphore, #tpu.memory_space<semaphore_mem>>)
      %dma_wait3A_116 = arith.constant 0 : i32
      %dma_wait3A_117 = tpu.memref_slice %arg2[%dma_wait3A_116, %mul3A_2] : memref<200x4096xi32, #tpu.memory_space<hbm>> -> memref<200x64xi32, #tpu.memory_space<hbm>>
      %dma_wait3A_118 = arith.constant 0 : i32
      %dma_wait3A_119 = tpu.memref_slice %arg2[%dma_wait3A_118, %mul3A_2] : memref<200x4096xi32, #tpu.memory_space<hbm>> -> memref<200x64xi32, #tpu.memory_space<hbm>>
      tpu.wait_dma2 semaphore(%run_scoped3A : memref<!tpu.dma_semaphore, #tpu.memory_space<semaphore_mem>>) src(%dma_wait3A_119 : memref<200x64xi32, #tpu.memory_space<hbm>>) dst(%arg5 : memref<200x64xi32, #tpu.memory_space<vmem>>)
      tpu.yield
    }) : () -> ()
    %add3A_3 = arith.constant 2048 : i32
    %add3A_4 = arith.addi %add3A_3, %mul3A_2 : i32
    "tpu.region"() ({
      %run_scoped3A = tpu.sem_alloc : memref<!tpu.dma_semaphore, #tpu.memory_space<semaphore_mem>>
      %dma_start3A_112 = arith.constant 0 : i32
      %dma_start3A_113 = tpu.memref_slice %arg2[%dma_start3A_112, %add3A_4] : memref<200x4096xi32, #tpu.memory_space<hbm>> -> memref<200x64xi32, #tpu.memory_space<hbm>>
      %dma_start3A_114 = arith.constant 0 : i32
      %dma_start3A_115 = tpu.memref_slice %arg2[%dma_start3A_114, %add3A_4] : memref<200x4096xi32, #tpu.memory_space<hbm>> -> memref<200x64xi32, #tpu.memory_space<hbm>>
      tpu.enqueue_dma source(%dma_start3A_115 : memref<200x64xi32, #tpu.memory_space<hbm>>) target(%arg6 : memref<200x64xi32, #tpu.memory_space<vmem>>) target_semaphore(%run_scoped3A : memref<!tpu.dma_semaphore, #tpu.memory_space<semaphore_mem>>)
      %dma_wait3A_116 = arith.constant 0 : i32
      %dma_wait3A_117 = tpu.memref_slice %arg2[%dma_wait3A_116, %add3A_4] : memref<200x4096xi32, #tpu.memory_space<hbm>> -> memref<200x64xi32, #tpu.memory_space<hbm>>
      %dma_wait3A_118 = arith.constant 0 : i32
      %dma_wait3A_119 = tpu.memref_slice %arg2[%dma_wait3A_118, %add3A_4] : memref<200x4096xi32, #tpu.memory_space<hbm>> -> memref<200x64xi32, #tpu.memory_space<hbm>>
      tpu.wait_dma2 semaphore(%run_scoped3A : memref<!tpu.dma_semaphore, #tpu.memory_space<semaphore_mem>>) src(%dma_wait3A_119 : memref<200x64xi32, #tpu.memory_space<hbm>>) dst(%arg6 : memref<200x64xi32, #tpu.memory_space<vmem>>)
      tpu.yield
    }) : () -> ()
    %dma_start3A = arith.constant 0 : i32
    %dma_start3A_5 = arith.constant 0 : i32
    %dma_start3A_6 = tpu.memref_slice %arg5[%dma_start3A, %dma_start3A_5] : memref<200x64xi32, #tpu.memory_space<vmem>> -> memref<1x64xi32, #tpu.memory_space<vmem>>
    %dma_start3A_7 = tpu.memref_squeeze %dma_start3A_6 : memref<1x64xi32, #tpu.memory_space<vmem>> -> memref<64xi32, #tpu.memory_space<vmem>>
    %dma_start3A_8 = arith.constant 0 : i32
    %dma_start3A_9 = arith.constant 0 : i32
    %dma_start3A_10 = tpu.memref_slice %arg3[%dma_start3A_8, %dma_start3A_9] : memref<100000x64xf32, #tpu.memory_space<hbm>> -> memref<100000x64xf32, #tpu.memory_space<hbm>>
    tpu.enqueue_indirect_dma source(%dma_start3A_10 : memref<100000x64xf32, #tpu.memory_space<hbm>>) target(%arg7 : memref<64x64xf32, #tpu.memory_space<vmem>>) offsets(%dma_start3A_7 : memref<64xi32, #tpu.memory_space<vmem>>) semaphore(%arg23 : memref<!tpu.dma_semaphore, #tpu.memory_space<semaphore_mem>>)
    %dma_start3A_11 = arith.constant 0 : i32
    %dma_start3A_12 = arith.constant 0 : i32
    %dma_start3A_13 = tpu.memref_slice %arg6[%dma_start3A_11, %dma_start3A_12] : memref<200x64xi32, #tpu.memory_space<vmem>> -> memref<1x64xi32, #tpu.memory_space<vmem>>
    %dma_start3A_14 = tpu.memref_squeeze %dma_start3A_13 : memref<1x64xi32, #tpu.memory_space<vmem>> -> memref<64xi32, #tpu.memory_space<vmem>>
    %dma_start3A_15 = arith.constant 0 : i32
    %dma_start3A_16 = arith.constant 0 : i32
    %dma_start3A_17 = tpu.memref_slice %arg3[%dma_start3A_15, %dma_start3A_16] : memref<100000x64xf32, #tpu.memory_space<hbm>> -> memref<100000x64xf32, #tpu.memory_space<hbm>>
    tpu.enqueue_indirect_dma source(%dma_start3A_17 : memref<100000x64xf32, #tpu.memory_space<hbm>>) target(%arg15 : memref<64x64xf32, #tpu.memory_space<vmem>>) offsets(%dma_start3A_14 : memref<64xi32, #tpu.memory_space<vmem>>) semaphore(%arg23 : memref<!tpu.dma_semaphore, #tpu.memory_space<semaphore_mem>>)
    %dma_start3A_18 = arith.constant 1 : i32
    %dma_start3A_19 = arith.constant 0 : i32
    %dma_start3A_20 = tpu.memref_slice %arg5[%dma_start3A_18, %dma_start3A_19] : memref<200x64xi32, #tpu.memory_space<vmem>> -> memref<1x64xi32, #tpu.memory_space<vmem>>
    %dma_start3A_21 = tpu.memref_squeeze %dma_start3A_20 : memref<1x64xi32, #tpu.memory_space<vmem>> -> memref<64xi32, #tpu.memory_space<vmem>>
    %dma_start3A_22 = arith.constant 0 : i32
    %dma_start3A_23 = arith.constant 0 : i32
    %dma_start3A_24 = tpu.memref_slice %arg3[%dma_start3A_22, %dma_start3A_23] : memref<100000x64xf32, #tpu.memory_space<hbm>> -> memref<100000x64xf32, #tpu.memory_space<hbm>>
    tpu.enqueue_indirect_dma source(%dma_start3A_24 : memref<100000x64xf32, #tpu.memory_space<hbm>>) target(%arg8 : memref<64x64xf32, #tpu.memory_space<vmem>>) offsets(%dma_start3A_21 : memref<64xi32, #tpu.memory_space<vmem>>) semaphore(%arg24 : memref<!tpu.dma_semaphore, #tpu.memory_space<semaphore_mem>>)
    %dma_start3A_25 = arith.constant 1 : i32
    %dma_start3A_26 = arith.constant 0 : i32
    %dma_start3A_27 = tpu.memref_slice %arg6[%dma_start3A_25, %dma_start3A_26] : memref<200x64xi32, #tpu.memory_space<vmem>> -> memref<1x64xi32, #tpu.memory_space<vmem>>
    %dma_start3A_28 = tpu.memref_squeeze %dma_start3A_27 : memref<1x64xi32, #tpu.memory_space<vmem>> -> memref<64xi32, #tpu.memory_space<vmem>>
    %dma_start3A_29 = arith.constant 0 : i32
    %dma_start3A_30 = arith.constant 0 : i32
    %dma_start3A_31 = tpu.memref_slice %arg3[%dma_start3A_29, %dma_start3A_30] : memref<100000x64xf32, #tpu.memory_space<hbm>> -> memref<100000x64xf32, #tpu.memory_space<hbm>>
    tpu.enqueue_indirect_dma source(%dma_start3A_31 : memref<100000x64xf32, #tpu.memory_space<hbm>>) target(%arg16 : memref<64x64xf32, #tpu.memory_space<vmem>>) offsets(%dma_start3A_28 : memref<64xi32, #tpu.memory_space<vmem>>) semaphore(%arg24 : memref<!tpu.dma_semaphore, #tpu.memory_space<semaphore_mem>>)
    %dma_start3A_32 = arith.constant 2 : i32
    %dma_start3A_33 = arith.constant 0 : i32
    %dma_start3A_34 = tpu.memref_slice %arg5[%dma_start3A_32, %dma_start3A_33] : memref<200x64xi32, #tpu.memory_space<vmem>> -> memref<1x64xi32, #tpu.memory_space<vmem>>
    %dma_start3A_35 = tpu.memref_squeeze %dma_start3A_34 : memref<1x64xi32, #tpu.memory_space<vmem>> -> memref<64xi32, #tpu.memory_space<vmem>>
    %dma_start3A_36 = arith.constant 0 : i32
    %dma_start3A_37 = arith.constant 0 : i32
    %dma_start3A_38 = tpu.memref_slice %arg3[%dma_start3A_36, %dma_start3A_37] : memref<100000x64xf32, #tpu.memory_space<hbm>> -> memref<100000x64xf32, #tpu.memory_space<hbm>>
    tpu.enqueue_indirect_dma source(%dma_start3A_38 : memref<100000x64xf32, #tpu.memory_space<hbm>>) target(%arg9 : memref<64x64xf32, #tpu.memory_space<vmem>>) offsets(%dma_start3A_35 : memref<64xi32, #tpu.memory_space<vmem>>) semaphore(%arg25 : memref<!tpu.dma_semaphore, #tpu.memory_space<semaphore_mem>>)
    %dma_start3A_39 = arith.constant 2 : i32
    %dma_start3A_40 = arith.constant 0 : i32
    %dma_start3A_41 = tpu.memref_slice %arg6[%dma_start3A_39, %dma_start3A_40] : memref<200x64xi32, #tpu.memory_space<vmem>> -> memref<1x64xi32, #tpu.memory_space<vmem>>
    %dma_start3A_42 = tpu.memref_squeeze %dma_start3A_41 : memref<1x64xi32, #tpu.memory_space<vmem>> -> memref<64xi32, #tpu.memory_space<vmem>>
    %dma_start3A_43 = arith.constant 0 : i32
    %dma_start3A_44 = arith.constant 0 : i32
    %dma_start3A_45 = tpu.memref_slice %arg3[%dma_start3A_43, %dma_start3A_44] : memref<100000x64xf32, #tpu.memory_space<hbm>> -> memref<100000x64xf32, #tpu.memory_space<hbm>>
    tpu.enqueue_indirect_dma source(%dma_start3A_45 : memref<100000x64xf32, #tpu.memory_space<hbm>>) target(%arg17 : memref<64x64xf32, #tpu.memory_space<vmem>>) offsets(%dma_start3A_42 : memref<64xi32, #tpu.memory_space<vmem>>) semaphore(%arg25 : memref<!tpu.dma_semaphore, #tpu.memory_space<semaphore_mem>>)
    %dma_start3A_46 = arith.constant 3 : i32
    %dma_start3A_47 = arith.constant 0 : i32
    %dma_start3A_48 = tpu.memref_slice %arg5[%dma_start3A_46, %dma_start3A_47] : memref<200x64xi32, #tpu.memory_space<vmem>> -> memref<1x64xi32, #tpu.memory_space<vmem>>
    %dma_start3A_49 = tpu.memref_squeeze %dma_start3A_48 : memref<1x64xi32, #tpu.memory_space<vmem>> -> memref<64xi32, #tpu.memory_space<vmem>>
    %dma_start3A_50 = arith.constant 0 : i32
    %dma_start3A_51 = arith.constant 0 : i32
    %dma_start3A_52 = tpu.memref_slice %arg3[%dma_start3A_50, %dma_start3A_51] : memref<100000x64xf32, #tpu.memory_space<hbm>> -> memref<100000x64xf32, #tpu.memory_space<hbm>>
    tpu.enqueue_indirect_dma source(%dma_start3A_52 : memref<100000x64xf32, #tpu.memory_space<hbm>>) target(%arg10 : memref<64x64xf32, #tpu.memory_space<vmem>>) offsets(%dma_start3A_49 : memref<64xi32, #tpu.memory_space<vmem>>) semaphore(%arg26 : memref<!tpu.dma_semaphore, #tpu.memory_space<semaphore_mem>>)
    %dma_start3A_53 = arith.constant 3 : i32
    %dma_start3A_54 = arith.constant 0 : i32
    %dma_start3A_55 = tpu.memref_slice %arg6[%dma_start3A_53, %dma_start3A_54] : memref<200x64xi32, #tpu.memory_space<vmem>> -> memref<1x64xi32, #tpu.memory_space<vmem>>
    %dma_start3A_56 = tpu.memref_squeeze %dma_start3A_55 : memref<1x64xi32, #tpu.memory_space<vmem>> -> memref<64xi32, #tpu.memory_space<vmem>>
    %dma_start3A_57 = arith.constant 0 : i32
    %dma_start3A_58 = arith.constant 0 : i32
    %dma_start3A_59 = tpu.memref_slice %arg3[%dma_start3A_57, %dma_start3A_58] : memref<100000x64xf32, #tpu.memory_space<hbm>> -> memref<100000x64xf32, #tpu.memory_space<hbm>>
    tpu.enqueue_indirect_dma source(%dma_start3A_59 : memref<100000x64xf32, #tpu.memory_space<hbm>>) target(%arg18 : memref<64x64xf32, #tpu.memory_space<vmem>>) offsets(%dma_start3A_56 : memref<64xi32, #tpu.memory_space<vmem>>) semaphore(%arg26 : memref<!tpu.dma_semaphore, #tpu.memory_space<semaphore_mem>>)
    %scan3A = arith.constant 0 : i32
    %scan3A_60 = arith.constant 0 : i32
    %scan3A_61 = arith.constant 25 : i32
    %scan3A_62 = arith.addi %scan3A_60, %scan3A_61 : i32
    %scan3A_63 = arith.constant 1 : i32
    scf.for %scan3A_112 = %scan3A_60 to %scan3A_62 step %scan3A_63  : i32 {
      %mul3A_113 = arith.constant 8 : i32
      %mul3A_114 = arith.muli %scan3A_112, %mul3A_113 : i32
      %add3A_115 = arith.constant 0 : i32
      %add3A_116 = arith.addi %mul3A_114, %add3A_115 : i32
      %dma_wait3A_117 = arith.constant 0 : i32
      %dma_wait3A_118 = arith.constant 0 : i32
      %dma_wait3A_119 = tpu.memref_slice %arg5[%dma_wait3A_117, %dma_wait3A_118] : memref<200x64xi32, #tpu.memory_space<vmem>> -> memref<1x64xi32, #tpu.memory_space<vmem>>
      %dma_wait3A_120 = tpu.memref_squeeze %dma_wait3A_119 : memref<1x64xi32, #tpu.memory_space<vmem>> -> memref<64xi32, #tpu.memory_space<vmem>>
      %dma_wait3A_121 = arith.constant 0 : i32
      %dma_wait3A_122 = arith.constant 0 : i32
      %dma_wait3A_123 = tpu.memref_slice %arg3[%dma_wait3A_121, %dma_wait3A_122] : memref<100000x64xf32, #tpu.memory_space<hbm>> -> memref<100000x64xf32, #tpu.memory_space<hbm>>
      tpu.wait_indirect_dma semaphore(%arg23 : memref<!tpu.dma_semaphore, #tpu.memory_space<semaphore_mem>>) src(%dma_wait3A_123 : memref<100000x64xf32, #tpu.memory_space<hbm>>) dst(%arg7 : memref<64x64xf32, #tpu.memory_space<vmem>>)
      %dma_wait3A_124 = arith.constant 0 : i32
      %dma_wait3A_125 = arith.constant 0 : i32
      %dma_wait3A_126 = tpu.memref_slice %arg6[%dma_wait3A_124, %dma_wait3A_125] : memref<200x64xi32, #tpu.memory_space<vmem>> -> memref<1x64xi32, #tpu.memory_space<vmem>>
      %dma_wait3A_127 = tpu.memref_squeeze %dma_wait3A_126 : memref<1x64xi32, #tpu.memory_space<vmem>> -> memref<64xi32, #tpu.memory_space<vmem>>
      %dma_wait3A_128 = arith.constant 0 : i32
      %dma_wait3A_129 = arith.constant 0 : i32
      %dma_wait3A_130 = tpu.memref_slice %arg3[%dma_wait3A_128, %dma_wait3A_129] : memref<100000x64xf32, #tpu.memory_space<hbm>> -> memref<100000x64xf32, #tpu.memory_space<hbm>>
      tpu.wait_indirect_dma semaphore(%arg23 : memref<!tpu.dma_semaphore, #tpu.memory_space<semaphore_mem>>) src(%dma_wait3A_130 : memref<100000x64xf32, #tpu.memory_space<hbm>>) dst(%arg15 : memref<64x64xf32, #tpu.memory_space<vmem>>)
      %ge3A = arith.constant 4 : i32
      %ge3A_131 = arith.cmpi sge, %add3A_116, %ge3A : i32
      %convert_element_type3A = arith.extui %ge3A_131 : i1 to i32
      %cond3A = arith.constant 0 : i32
      %cond3A_132 = arith.cmpi ne, %convert_element_type3A, %cond3A : i32
      scf.if %cond3A_132 {
        %dma_wait3A_437 = arith.constant 0 : i32
        %dma_wait3A_438 = arith.constant 0 : i32
        %dma_wait3A_439 = tpu.memref_slice %arg4[%dma_wait3A_437, %dma_wait3A_438] : memref<409600x128xf32, #tpu.memory_space<hbm>> -> memref<64x64xf32, #tpu.memory_space<hbm>>
        %dma_wait3A_440 = arith.constant 0 : i32
        %dma_wait3A_441 = arith.constant 0 : i32
        %dma_wait3A_442 = tpu.memref_slice %arg4[%dma_wait3A_440, %dma_wait3A_441] : memref<409600x128xf32, #tpu.memory_space<hbm>> -> memref<64x64xf32, #tpu.memory_space<hbm>>
        tpu.wait_dma2 semaphore(%arg35 : memref<!tpu.dma_semaphore, #tpu.memory_space<semaphore_mem>>) src(%arg11 : memref<64x64xf32, #tpu.memory_space<vmem>>) dst(%dma_wait3A_442 : memref<64x64xf32, #tpu.memory_space<hbm>>)
        %dma_wait3A_443 = arith.constant 0 : i32
        %dma_wait3A_444 = arith.constant 64 : i32
        %dma_wait3A_445 = tpu.memref_slice %arg4[%dma_wait3A_443, %dma_wait3A_444] : memref<409600x128xf32, #tpu.memory_space<hbm>> -> memref<64x64xf32, #tpu.memory_space<hbm>>
        %dma_wait3A_446 = arith.constant 0 : i32
        %dma_wait3A_447 = arith.constant 64 : i32
        %dma_wait3A_448 = tpu.memref_slice %arg4[%dma_wait3A_446, %dma_wait3A_447] : memref<409600x128xf32, #tpu.memory_space<hbm>> -> memref<64x64xf32, #tpu.memory_space<hbm>>
        tpu.wait_dma2 semaphore(%arg35 : memref<!tpu.dma_semaphore, #tpu.memory_space<semaphore_mem>>) src(%arg19 : memref<64x64xf32, #tpu.memory_space<vmem>>) dst(%dma_wait3A_448 : memref<64x64xf32, #tpu.memory_space<hbm>>)
      } else {
      }
      %add3A_133 = arith.constant 4 : i32
      %add3A_134 = arith.addi %add3A_116, %add3A_133 : i32
      %lt3A = arith.constant 200 : i32
      %lt3A_135 = arith.cmpi slt, %add3A_134, %lt3A : i32
      %convert_element_type3A_136 = arith.extui %lt3A_135 : i1 to i32
      %cond3A_137 = arith.constant 0 : i32
      %cond3A_138 = arith.cmpi ne, %convert_element_type3A_136, %cond3A_137 : i32
      scf.if %cond3A_138 {
        %add3A_437 = arith.constant 4 : i32
        %add3A_438 = arith.addi %add3A_116, %add3A_437 : i32
        %dma_start3A_439 = arith.constant 0 : i32
        %dma_start3A_440 = tpu.memref_slice %arg5[%add3A_438, %dma_start3A_439] : memref<200x64xi32, #tpu.memory_space<vmem>> -> memref<1x64xi32, #tpu.memory_space<vmem>>
        %dma_start3A_441 = tpu.memref_squeeze %dma_start3A_440 : memref<1x64xi32, #tpu.memory_space<vmem>> -> memref<64xi32, #tpu.memory_space<vmem>>
        %dma_start3A_442 = arith.constant 0 : i32
        %dma_start3A_443 = arith.constant 0 : i32
        %dma_start3A_444 = tpu.memref_slice %arg3[%dma_start3A_442, %dma_start3A_443] : memref<100000x64xf32, #tpu.memory_space<hbm>> -> memref<100000x64xf32, #tpu.memory_space<hbm>>
        tpu.enqueue_indirect_dma source(%dma_start3A_444 : memref<100000x64xf32, #tpu.memory_space<hbm>>) target(%arg11 : memref<64x64xf32, #tpu.memory_space<vmem>>) offsets(%dma_start3A_441 : memref<64xi32, #tpu.memory_space<vmem>>) semaphore(%arg27 : memref<!tpu.dma_semaphore, #tpu.memory_space<semaphore_mem>>)
        %dma_start3A_445 = arith.constant 0 : i32
        %dma_start3A_446 = tpu.memref_slice %arg6[%add3A_438, %dma_start3A_445] : memref<200x64xi32, #tpu.memory_space<vmem>> -> memref<1x64xi32, #tpu.memory_space<vmem>>
        %dma_start3A_447 = tpu.memref_squeeze %dma_start3A_446 : memref<1x64xi32, #tpu.memory_space<vmem>> -> memref<64xi32, #tpu.memory_space<vmem>>
        %dma_start3A_448 = arith.constant 0 : i32
        %dma_start3A_449 = arith.constant 0 : i32
        %dma_start3A_450 = tpu.memref_slice %arg3[%dma_start3A_448, %dma_start3A_449] : memref<100000x64xf32, #tpu.memory_space<hbm>> -> memref<100000x64xf32, #tpu.memory_space<hbm>>
        tpu.enqueue_indirect_dma source(%dma_start3A_450 : memref<100000x64xf32, #tpu.memory_space<hbm>>) target(%arg19 : memref<64x64xf32, #tpu.memory_space<vmem>>) offsets(%dma_start3A_447 : memref<64xi32, #tpu.memory_space<vmem>>) semaphore(%arg27 : memref<!tpu.dma_semaphore, #tpu.memory_space<semaphore_mem>>)
      } else {
      }
      %mul3A_139 = arith.constant 2048 : i32
      %mul3A_140 = arith.muli %add3A_116, %mul3A_139 : i32
      %add3A_141 = arith.addi %mul3A_140, %mul3A_2 : i32
      %dma_start3A_142 = arith.constant 0 : i32
      %dma_start3A_143 = tpu.memref_slice %arg4[%add3A_141, %dma_start3A_142] : memref<409600x128xf32, #tpu.memory_space<hbm>> -> memref<64x64xf32, #tpu.memory_space<hbm>>
      %dma_start3A_144 = arith.constant 0 : i32
      %dma_start3A_145 = tpu.memref_slice %arg4[%add3A_141, %dma_start3A_144] : memref<409600x128xf32, #tpu.memory_space<hbm>> -> memref<64x64xf32, #tpu.memory_space<hbm>>
      tpu.enqueue_dma source(%arg7 : memref<64x64xf32, #tpu.memory_space<vmem>>) target(%dma_start3A_145 : memref<64x64xf32, #tpu.memory_space<hbm>>) target_semaphore(%arg31 : memref<!tpu.dma_semaphore, #tpu.memory_space<semaphore_mem>>)
      %dma_start3A_146 = arith.constant 64 : i32
      %dma_start3A_147 = tpu.memref_slice %arg4[%add3A_141, %dma_start3A_146] : memref<409600x128xf32, #tpu.memory_space<hbm>> -> memref<64x64xf32, #tpu.memory_space<hbm>>
      %dma_start3A_148 = arith.constant 64 : i32
      %dma_start3A_149 = tpu.memref_slice %arg4[%add3A_141, %dma_start3A_148] : memref<409600x128xf32, #tpu.memory_space<hbm>> -> memref<64x64xf32, #tpu.memory_space<hbm>>
      tpu.enqueue_dma source(%arg15 : memref<64x64xf32, #tpu.memory_space<vmem>>) target(%dma_start3A_149 : memref<64x64xf32, #tpu.memory_space<hbm>>) target_semaphore(%arg31 : memref<!tpu.dma_semaphore, #tpu.memory_space<semaphore_mem>>)
      %mul3A_150 = arith.constant 8 : i32
      %mul3A_151 = arith.muli %scan3A_112, %mul3A_150 : i32
      %add3A_152 = arith.constant 1 : i32
      %add3A_153 = arith.addi %mul3A_151, %add3A_152 : i32
      %dma_wait3A_154 = arith.constant 0 : i32
      %dma_wait3A_155 = arith.constant 0 : i32
      %dma_wait3A_156 = tpu.memref_slice %arg5[%dma_wait3A_154, %dma_wait3A_155] : memref<200x64xi32, #tpu.memory_space<vmem>> -> memref<1x64xi32, #tpu.memory_space<vmem>>
      %dma_wait3A_157 = tpu.memref_squeeze %dma_wait3A_156 : memref<1x64xi32, #tpu.memory_space<vmem>> -> memref<64xi32, #tpu.memory_space<vmem>>
      %dma_wait3A_158 = arith.constant 0 : i32
      %dma_wait3A_159 = arith.constant 0 : i32
      %dma_wait3A_160 = tpu.memref_slice %arg3[%dma_wait3A_158, %dma_wait3A_159] : memref<100000x64xf32, #tpu.memory_space<hbm>> -> memref<100000x64xf32, #tpu.memory_space<hbm>>
      tpu.wait_indirect_dma semaphore(%arg24 : memref<!tpu.dma_semaphore, #tpu.memory_space<semaphore_mem>>) src(%dma_wait3A_160 : memref<100000x64xf32, #tpu.memory_space<hbm>>) dst(%arg8 : memref<64x64xf32, #tpu.memory_space<vmem>>)
      %dma_wait3A_161 = arith.constant 0 : i32
      %dma_wait3A_162 = arith.constant 0 : i32
      %dma_wait3A_163 = tpu.memref_slice %arg6[%dma_wait3A_161, %dma_wait3A_162] : memref<200x64xi32, #tpu.memory_space<vmem>> -> memref<1x64xi32, #tpu.memory_space<vmem>>
      %dma_wait3A_164 = tpu.memref_squeeze %dma_wait3A_163 : memref<1x64xi32, #tpu.memory_space<vmem>> -> memref<64xi32, #tpu.memory_space<vmem>>
      %dma_wait3A_165 = arith.constant 0 : i32
      %dma_wait3A_166 = arith.constant 0 : i32
      %dma_wait3A_167 = tpu.memref_slice %arg3[%dma_wait3A_165, %dma_wait3A_166] : memref<100000x64xf32, #tpu.memory_space<hbm>> -> memref<100000x64xf32, #tpu.memory_space<hbm>>
      tpu.wait_indirect_dma semaphore(%arg24 : memref<!tpu.dma_semaphore, #tpu.memory_space<semaphore_mem>>) src(%dma_wait3A_167 : memref<100000x64xf32, #tpu.memory_space<hbm>>) dst(%arg16 : memref<64x64xf32, #tpu.memory_space<vmem>>)
      %ge3A_168 = arith.constant 4 : i32
      %ge3A_169 = arith.cmpi sge, %add3A_153, %ge3A_168 : i32
      %convert_element_type3A_170 = arith.extui %ge3A_169 : i1 to i32
      %cond3A_171 = arith.constant 0 : i32
      %cond3A_172 = arith.cmpi ne, %convert_element_type3A_170, %cond3A_171 : i32
      scf.if %cond3A_172 {
        %dma_wait3A_437 = arith.constant 0 : i32
        %dma_wait3A_438 = arith.constant 0 : i32
        %dma_wait3A_439 = tpu.memref_slice %arg4[%dma_wait3A_437, %dma_wait3A_438] : memref<409600x128xf32, #tpu.memory_space<hbm>> -> memref<64x64xf32, #tpu.memory_space<hbm>>
        %dma_wait3A_440 = arith.constant 0 : i32
        %dma_wait3A_441 = arith.constant 0 : i32
        %dma_wait3A_442 = tpu.memref_slice %arg4[%dma_wait3A_440, %dma_wait3A_441] : memref<409600x128xf32, #tpu.memory_space<hbm>> -> memref<64x64xf32, #tpu.memory_space<hbm>>
        tpu.wait_dma2 semaphore(%arg36 : memref<!tpu.dma_semaphore, #tpu.memory_space<semaphore_mem>>) src(%arg12 : memref<64x64xf32, #tpu.memory_space<vmem>>) dst(%dma_wait3A_442 : memref<64x64xf32, #tpu.memory_space<hbm>>)
        %dma_wait3A_443 = arith.constant 0 : i32
        %dma_wait3A_444 = arith.constant 64 : i32
        %dma_wait3A_445 = tpu.memref_slice %arg4[%dma_wait3A_443, %dma_wait3A_444] : memref<409600x128xf32, #tpu.memory_space<hbm>> -> memref<64x64xf32, #tpu.memory_space<hbm>>
        %dma_wait3A_446 = arith.constant 0 : i32
        %dma_wait3A_447 = arith.constant 64 : i32
        %dma_wait3A_448 = tpu.memref_slice %arg4[%dma_wait3A_446, %dma_wait3A_447] : memref<409600x128xf32, #tpu.memory_space<hbm>> -> memref<64x64xf32, #tpu.memory_space<hbm>>
        tpu.wait_dma2 semaphore(%arg36 : memref<!tpu.dma_semaphore, #tpu.memory_space<semaphore_mem>>) src(%arg20 : memref<64x64xf32, #tpu.memory_space<vmem>>) dst(%dma_wait3A_448 : memref<64x64xf32, #tpu.memory_space<hbm>>)
      } else {
      }
      %add3A_173 = arith.constant 4 : i32
      %add3A_174 = arith.addi %add3A_153, %add3A_173 : i32
      %lt3A_175 = arith.constant 200 : i32
      %lt3A_176 = arith.cmpi slt, %add3A_174, %lt3A_175 : i32
      %convert_element_type3A_177 = arith.extui %lt3A_176 : i1 to i32
      %cond3A_178 = arith.constant 0 : i32
      %cond3A_179 = arith.cmpi ne, %convert_element_type3A_177, %cond3A_178 : i32
      scf.if %cond3A_179 {
        %add3A_437 = arith.constant 4 : i32
        %add3A_438 = arith.addi %add3A_153, %add3A_437 : i32
        %dma_start3A_439 = arith.constant 0 : i32
        %dma_start3A_440 = tpu.memref_slice %arg5[%add3A_438, %dma_start3A_439] : memref<200x64xi32, #tpu.memory_space<vmem>> -> memref<1x64xi32, #tpu.memory_space<vmem>>
        %dma_start3A_441 = tpu.memref_squeeze %dma_start3A_440 : memref<1x64xi32, #tpu.memory_space<vmem>> -> memref<64xi32, #tpu.memory_space<vmem>>
        %dma_start3A_442 = arith.constant 0 : i32
        %dma_start3A_443 = arith.constant 0 : i32
        %dma_start3A_444 = tpu.memref_slice %arg3[%dma_start3A_442, %dma_start3A_443] : memref<100000x64xf32, #tpu.memory_space<hbm>> -> memref<100000x64xf32, #tpu.memory_space<hbm>>
        tpu.enqueue_indirect_dma source(%dma_start3A_444 : memref<100000x64xf32, #tpu.memory_space<hbm>>) target(%arg12 : memref<64x64xf32, #tpu.memory_space<vmem>>) offsets(%dma_start3A_441 : memref<64xi32, #tpu.memory_space<vmem>>) semaphore(%arg28 : memref<!tpu.dma_semaphore, #tpu.memory_space<semaphore_mem>>)
        %dma_start3A_445 = arith.constant 0 : i32
        %dma_start3A_446 = tpu.memref_slice %arg6[%add3A_438, %dma_start3A_445] : memref<200x64xi32, #tpu.memory_space<vmem>> -> memref<1x64xi32, #tpu.memory_space<vmem>>
        %dma_start3A_447 = tpu.memref_squeeze %dma_start3A_446 : memref<1x64xi32, #tpu.memory_space<vmem>> -> memref<64xi32, #tpu.memory_space<vmem>>
        %dma_start3A_448 = arith.constant 0 : i32
        %dma_start3A_449 = arith.constant 0 : i32
        %dma_start3A_450 = tpu.memref_slice %arg3[%dma_start3A_448, %dma_start3A_449] : memref<100000x64xf32, #tpu.memory_space<hbm>> -> memref<100000x64xf32, #tpu.memory_space<hbm>>
        tpu.enqueue_indirect_dma source(%dma_start3A_450 : memref<100000x64xf32, #tpu.memory_space<hbm>>) target(%arg20 : memref<64x64xf32, #tpu.memory_space<vmem>>) offsets(%dma_start3A_447 : memref<64xi32, #tpu.memory_space<vmem>>) semaphore(%arg28 : memref<!tpu.dma_semaphore, #tpu.memory_space<semaphore_mem>>)
      } else {
      }
      %mul3A_180 = arith.constant 2048 : i32
      %mul3A_181 = arith.muli %add3A_153, %mul3A_180 : i32
      %add3A_182 = arith.addi %mul3A_181, %mul3A_2 : i32
      %dma_start3A_183 = arith.constant 0 : i32
      %dma_start3A_184 = tpu.memref_slice %arg4[%add3A_182, %dma_start3A_183] : memref<409600x128xf32, #tpu.memory_space<hbm>> -> memref<64x64xf32, #tpu.memory_space<hbm>>
      %dma_start3A_185 = arith.constant 0 : i32
      %dma_start3A_186 = tpu.memref_slice %arg4[%add3A_182, %dma_start3A_185] : memref<409600x128xf32, #tpu.memory_space<hbm>> -> memref<64x64xf32, #tpu.memory_space<hbm>>
      tpu.enqueue_dma source(%arg8 : memref<64x64xf32, #tpu.memory_space<vmem>>) target(%dma_start3A_186 : memref<64x64xf32, #tpu.memory_space<hbm>>) target_semaphore(%arg32 : memref<!tpu.dma_semaphore, #tpu.memory_space<semaphore_mem>>)
      %dma_start3A_187 = arith.constant 64 : i32
      %dma_start3A_188 = tpu.memref_slice %arg4[%add3A_182, %dma_start3A_187] : memref<409600x128xf32, #tpu.memory_space<hbm>> -> memref<64x64xf32, #tpu.memory_space<hbm>>
      %dma_start3A_189 = arith.constant 64 : i32
      %dma_start3A_190 = tpu.memref_slice %arg4[%add3A_182, %dma_start3A_189] : memref<409600x128xf32, #tpu.memory_space<hbm>> -> memref<64x64xf32, #tpu.memory_space<hbm>>
      tpu.enqueue_dma source(%arg16 : memref<64x64xf32, #tpu.memory_space<vmem>>) target(%dma_start3A_190 : memref<64x64xf32, #tpu.memory_space<hbm>>) target_semaphore(%arg32 : memref<!tpu.dma_semaphore, #tpu.memory_space<semaphore_mem>>)
      %mul3A_191 = arith.constant 8 : i32
      %mul3A_192 = arith.muli %scan3A_112, %mul3A_191 : i32
      %add3A_193 = arith.constant 2 : i32
      %add3A_194 = arith.addi %mul3A_192, %add3A_193 : i32
      %dma_wait3A_195 = arith.constant 0 : i32
      %dma_wait3A_196 = arith.constant 0 : i32
      %dma_wait3A_197 = tpu.memref_slice %arg5[%dma_wait3A_195, %dma_wait3A_196] : memref<200x64xi32, #tpu.memory_space<vmem>> -> memref<1x64xi32, #tpu.memory_space<vmem>>
      %dma_wait3A_198 = tpu.memref_squeeze %dma_wait3A_197 : memref<1x64xi32, #tpu.memory_space<vmem>> -> memref<64xi32, #tpu.memory_space<vmem>>
      %dma_wait3A_199 = arith.constant 0 : i32
      %dma_wait3A_200 = arith.constant 0 : i32
      %dma_wait3A_201 = tpu.memref_slice %arg3[%dma_wait3A_199, %dma_wait3A_200] : memref<100000x64xf32, #tpu.memory_space<hbm>> -> memref<100000x64xf32, #tpu.memory_space<hbm>>
      tpu.wait_indirect_dma semaphore(%arg25 : memref<!tpu.dma_semaphore, #tpu.memory_space<semaphore_mem>>) src(%dma_wait3A_201 : memref<100000x64xf32, #tpu.memory_space<hbm>>) dst(%arg9 : memref<64x64xf32, #tpu.memory_space<vmem>>)
      %dma_wait3A_202 = arith.constant 0 : i32
      %dma_wait3A_203 = arith.constant 0 : i32
      %dma_wait3A_204 = tpu.memref_slice %arg6[%dma_wait3A_202, %dma_wait3A_203] : memref<200x64xi32, #tpu.memory_space<vmem>> -> memref<1x64xi32, #tpu.memory_space<vmem>>
      %dma_wait3A_205 = tpu.memref_squeeze %dma_wait3A_204 : memref<1x64xi32, #tpu.memory_space<vmem>> -> memref<64xi32, #tpu.memory_space<vmem>>
      %dma_wait3A_206 = arith.constant 0 : i32
      %dma_wait3A_207 = arith.constant 0 : i32
      %dma_wait3A_208 = tpu.memref_slice %arg3[%dma_wait3A_206, %dma_wait3A_207] : memref<100000x64xf32, #tpu.memory_space<hbm>> -> memref<100000x64xf32, #tpu.memory_space<hbm>>
      tpu.wait_indirect_dma semaphore(%arg25 : memref<!tpu.dma_semaphore, #tpu.memory_space<semaphore_mem>>) src(%dma_wait3A_208 : memref<100000x64xf32, #tpu.memory_space<hbm>>) dst(%arg17 : memref<64x64xf32, #tpu.memory_space<vmem>>)
      %ge3A_209 = arith.constant 4 : i32
      %ge3A_210 = arith.cmpi sge, %add3A_194, %ge3A_209 : i32
      %convert_element_type3A_211 = arith.extui %ge3A_210 : i1 to i32
      %cond3A_212 = arith.constant 0 : i32
      %cond3A_213 = arith.cmpi ne, %convert_element_type3A_211, %cond3A_212 : i32
      scf.if %cond3A_213 {
        %dma_wait3A_437 = arith.constant 0 : i32
        %dma_wait3A_438 = arith.constant 0 : i32
        %dma_wait3A_439 = tpu.memref_slice %arg4[%dma_wait3A_437, %dma_wait3A_438] : memref<409600x128xf32, #tpu.memory_space<hbm>> -> memref<64x64xf32, #tpu.memory_space<hbm>>
        %dma_wait3A_440 = arith.constant 0 : i32
        %dma_wait3A_441 = arith.constant 0 : i32
        %dma_wait3A_442 = tpu.memref_slice %arg4[%dma_wait3A_440, %dma_wait3A_441] : memref<409600x128xf32, #tpu.memory_space<hbm>> -> memref<64x64xf32, #tpu.memory_space<hbm>>
        tpu.wait_dma2 semaphore(%arg37 : memref<!tpu.dma_semaphore, #tpu.memory_space<semaphore_mem>>) src(%arg13 : memref<64x64xf32, #tpu.memory_space<vmem>>) dst(%dma_wait3A_442 : memref<64x64xf32, #tpu.memory_space<hbm>>)
        %dma_wait3A_443 = arith.constant 0 : i32
        %dma_wait3A_444 = arith.constant 64 : i32
        %dma_wait3A_445 = tpu.memref_slice %arg4[%dma_wait3A_443, %dma_wait3A_444] : memref<409600x128xf32, #tpu.memory_space<hbm>> -> memref<64x64xf32, #tpu.memory_space<hbm>>
        %dma_wait3A_446 = arith.constant 0 : i32
        %dma_wait3A_447 = arith.constant 64 : i32
        %dma_wait3A_448 = tpu.memref_slice %arg4[%dma_wait3A_446, %dma_wait3A_447] : memref<409600x128xf32, #tpu.memory_space<hbm>> -> memref<64x64xf32, #tpu.memory_space<hbm>>
        tpu.wait_dma2 semaphore(%arg37 : memref<!tpu.dma_semaphore, #tpu.memory_space<semaphore_mem>>) src(%arg21 : memref<64x64xf32, #tpu.memory_space<vmem>>) dst(%dma_wait3A_448 : memref<64x64xf32, #tpu.memory_space<hbm>>)
      } else {
      }
      %add3A_214 = arith.constant 4 : i32
      %add3A_215 = arith.addi %add3A_194, %add3A_214 : i32
      %lt3A_216 = arith.constant 200 : i32
      %lt3A_217 = arith.cmpi slt, %add3A_215, %lt3A_216 : i32
      %convert_element_type3A_218 = arith.extui %lt3A_217 : i1 to i32
      %cond3A_219 = arith.constant 0 : i32
      %cond3A_220 = arith.cmpi ne, %convert_element_type3A_218, %cond3A_219 : i32
      scf.if %cond3A_220 {
        %add3A_437 = arith.constant 4 : i32
        %add3A_438 = arith.addi %add3A_194, %add3A_437 : i32
        %dma_start3A_439 = arith.constant 0 : i32
        %dma_start3A_440 = tpu.memref_slice %arg5[%add3A_438, %dma_start3A_439] : memref<200x64xi32, #tpu.memory_space<vmem>> -> memref<1x64xi32, #tpu.memory_space<vmem>>
        %dma_start3A_441 = tpu.memref_squeeze %dma_start3A_440 : memref<1x64xi32, #tpu.memory_space<vmem>> -> memref<64xi32, #tpu.memory_space<vmem>>
        %dma_start3A_442 = arith.constant 0 : i32
        %dma_start3A_443 = arith.constant 0 : i32
        %dma_start3A_444 = tpu.memref_slice %arg3[%dma_start3A_442, %dma_start3A_443] : memref<100000x64xf32, #tpu.memory_space<hbm>> -> memref<100000x64xf32, #tpu.memory_space<hbm>>
        tpu.enqueue_indirect_dma source(%dma_start3A_444 : memref<100000x64xf32, #tpu.memory_space<hbm>>) target(%arg13 : memref<64x64xf32, #tpu.memory_space<vmem>>) offsets(%dma_start3A_441 : memref<64xi32, #tpu.memory_space<vmem>>) semaphore(%arg29 : memref<!tpu.dma_semaphore, #tpu.memory_space<semaphore_mem>>)
        %dma_start3A_445 = arith.constant 0 : i32
        %dma_start3A_446 = tpu.memref_slice %arg6[%add3A_438, %dma_start3A_445] : memref<200x64xi32, #tpu.memory_space<vmem>> -> memref<1x64xi32, #tpu.memory_space<vmem>>
        %dma_start3A_447 = tpu.memref_squeeze %dma_start3A_446 : memref<1x64xi32, #tpu.memory_space<vmem>> -> memref<64xi32, #tpu.memory_space<vmem>>
        %dma_start3A_448 = arith.constant 0 : i32
        %dma_start3A_449 = arith.constant 0 : i32
        %dma_start3A_450 = tpu.memref_slice %arg3[%dma_start3A_448, %dma_start3A_449] : memref<100000x64xf32, #tpu.memory_space<hbm>> -> memref<100000x64xf32, #tpu.memory_space<hbm>>
        tpu.enqueue_indirect_dma source(%dma_start3A_450 : memref<100000x64xf32, #tpu.memory_space<hbm>>) target(%arg21 : memref<64x64xf32, #tpu.memory_space<vmem>>) offsets(%dma_start3A_447 : memref<64xi32, #tpu.memory_space<vmem>>) semaphore(%arg29 : memref<!tpu.dma_semaphore, #tpu.memory_space<semaphore_mem>>)
      } else {
      }
      %mul3A_221 = arith.constant 2048 : i32
      %mul3A_222 = arith.muli %add3A_194, %mul3A_221 : i32
      %add3A_223 = arith.addi %mul3A_222, %mul3A_2 : i32
      %dma_start3A_224 = arith.constant 0 : i32
      %dma_start3A_225 = tpu.memref_slice %arg4[%add3A_223, %dma_start3A_224] : memref<409600x128xf32, #tpu.memory_space<hbm>> -> memref<64x64xf32, #tpu.memory_space<hbm>>
      %dma_start3A_226 = arith.constant 0 : i32
      %dma_start3A_227 = tpu.memref_slice %arg4[%add3A_223, %dma_start3A_226] : memref<409600x128xf32, #tpu.memory_space<hbm>> -> memref<64x64xf32, #tpu.memory_space<hbm>>
      tpu.enqueue_dma source(%arg9 : memref<64x64xf32, #tpu.memory_space<vmem>>) target(%dma_start3A_227 : memref<64x64xf32, #tpu.memory_space<hbm>>) target_semaphore(%arg33 : memref<!tpu.dma_semaphore, #tpu.memory_space<semaphore_mem>>)
      %dma_start3A_228 = arith.constant 64 : i32
      %dma_start3A_229 = tpu.memref_slice %arg4[%add3A_223, %dma_start3A_228] : memref<409600x128xf32, #tpu.memory_space<hbm>> -> memref<64x64xf32, #tpu.memory_space<hbm>>
      %dma_start3A_230 = arith.constant 64 : i32
      %dma_start3A_231 = tpu.memref_slice %arg4[%add3A_223, %dma_start3A_230] : memref<409600x128xf32, #tpu.memory_space<hbm>> -> memref<64x64xf32, #tpu.memory_space<hbm>>
      tpu.enqueue_dma source(%arg17 : memref<64x64xf32, #tpu.memory_space<vmem>>) target(%dma_start3A_231 : memref<64x64xf32, #tpu.memory_space<hbm>>) target_semaphore(%arg33 : memref<!tpu.dma_semaphore, #tpu.memory_space<semaphore_mem>>)
      %mul3A_232 = arith.constant 8 : i32
      %mul3A_233 = arith.muli %scan3A_112, %mul3A_232 : i32
      %add3A_234 = arith.constant 3 : i32
      %add3A_235 = arith.addi %mul3A_233, %add3A_234 : i32
      %dma_wait3A_236 = arith.constant 0 : i32
      %dma_wait3A_237 = arith.constant 0 : i32
      %dma_wait3A_238 = tpu.memref_slice %arg5[%dma_wait3A_236, %dma_wait3A_237] : memref<200x64xi32, #tpu.memory_space<vmem>> -> memref<1x64xi32, #tpu.memory_space<vmem>>
      %dma_wait3A_239 = tpu.memref_squeeze %dma_wait3A_238 : memref<1x64xi32, #tpu.memory_space<vmem>> -> memref<64xi32, #tpu.memory_space<vmem>>
      %dma_wait3A_240 = arith.constant 0 : i32
      %dma_wait3A_241 = arith.constant 0 : i32
      %dma_wait3A_242 = tpu.memref_slice %arg3[%dma_wait3A_240, %dma_wait3A_241] : memref<100000x64xf32, #tpu.memory_space<hbm>> -> memref<100000x64xf32, #tpu.memory_space<hbm>>
      tpu.wait_indirect_dma semaphore(%arg26 : memref<!tpu.dma_semaphore, #tpu.memory_space<semaphore_mem>>) src(%dma_wait3A_242 : memref<100000x64xf32, #tpu.memory_space<hbm>>) dst(%arg10 : memref<64x64xf32, #tpu.memory_space<vmem>>)
      %dma_wait3A_243 = arith.constant 0 : i32
      %dma_wait3A_244 = arith.constant 0 : i32
      %dma_wait3A_245 = tpu.memref_slice %arg6[%dma_wait3A_243, %dma_wait3A_244] : memref<200x64xi32, #tpu.memory_space<vmem>> -> memref<1x64xi32, #tpu.memory_space<vmem>>
      %dma_wait3A_246 = tpu.memref_squeeze %dma_wait3A_245 : memref<1x64xi32, #tpu.memory_space<vmem>> -> memref<64xi32, #tpu.memory_space<vmem>>
      %dma_wait3A_247 = arith.constant 0 : i32
      %dma_wait3A_248 = arith.constant 0 : i32
      %dma_wait3A_249 = tpu.memref_slice %arg3[%dma_wait3A_247, %dma_wait3A_248] : memref<100000x64xf32, #tpu.memory_space<hbm>> -> memref<100000x64xf32, #tpu.memory_space<hbm>>
      tpu.wait_indirect_dma semaphore(%arg26 : memref<!tpu.dma_semaphore, #tpu.memory_space<semaphore_mem>>) src(%dma_wait3A_249 : memref<100000x64xf32, #tpu.memory_space<hbm>>) dst(%arg18 : memref<64x64xf32, #tpu.memory_space<vmem>>)
      %ge3A_250 = arith.constant 4 : i32
      %ge3A_251 = arith.cmpi sge, %add3A_235, %ge3A_250 : i32
      %convert_element_type3A_252 = arith.extui %ge3A_251 : i1 to i32
      %cond3A_253 = arith.constant 0 : i32
      %cond3A_254 = arith.cmpi ne, %convert_element_type3A_252, %cond3A_253 : i32
      scf.if %cond3A_254 {
        %dma_wait3A_437 = arith.constant 0 : i32
        %dma_wait3A_438 = arith.constant 0 : i32
        %dma_wait3A_439 = tpu.memref_slice %arg4[%dma_wait3A_437, %dma_wait3A_438] : memref<409600x128xf32, #tpu.memory_space<hbm>> -> memref<64x64xf32, #tpu.memory_space<hbm>>
        %dma_wait3A_440 = arith.constant 0 : i32
        %dma_wait3A_441 = arith.constant 0 : i32
        %dma_wait3A_442 = tpu.memref_slice %arg4[%dma_wait3A_440, %dma_wait3A_441] : memref<409600x128xf32, #tpu.memory_space<hbm>> -> memref<64x64xf32, #tpu.memory_space<hbm>>
        tpu.wait_dma2 semaphore(%arg38 : memref<!tpu.dma_semaphore, #tpu.memory_space<semaphore_mem>>) src(%arg14 : memref<64x64xf32, #tpu.memory_space<vmem>>) dst(%dma_wait3A_442 : memref<64x64xf32, #tpu.memory_space<hbm>>)
        %dma_wait3A_443 = arith.constant 0 : i32
        %dma_wait3A_444 = arith.constant 64 : i32
        %dma_wait3A_445 = tpu.memref_slice %arg4[%dma_wait3A_443, %dma_wait3A_444] : memref<409600x128xf32, #tpu.memory_space<hbm>> -> memref<64x64xf32, #tpu.memory_space<hbm>>
        %dma_wait3A_446 = arith.constant 0 : i32
        %dma_wait3A_447 = arith.constant 64 : i32
        %dma_wait3A_448 = tpu.memref_slice %arg4[%dma_wait3A_446, %dma_wait3A_447] : memref<409600x128xf32, #tpu.memory_space<hbm>> -> memref<64x64xf32, #tpu.memory_space<hbm>>
        tpu.wait_dma2 semaphore(%arg38 : memref<!tpu.dma_semaphore, #tpu.memory_space<semaphore_mem>>) src(%arg22 : memref<64x64xf32, #tpu.memory_space<vmem>>) dst(%dma_wait3A_448 : memref<64x64xf32, #tpu.memory_space<hbm>>)
      } else {
      }
      %add3A_255 = arith.constant 4 : i32
      %add3A_256 = arith.addi %add3A_235, %add3A_255 : i32
      %lt3A_257 = arith.constant 200 : i32
      %lt3A_258 = arith.cmpi slt, %add3A_256, %lt3A_257 : i32
      %convert_element_type3A_259 = arith.extui %lt3A_258 : i1 to i32
      %cond3A_260 = arith.constant 0 : i32
      %cond3A_261 = arith.cmpi ne, %convert_element_type3A_259, %cond3A_260 : i32
      scf.if %cond3A_261 {
        %add3A_437 = arith.constant 4 : i32
        %add3A_438 = arith.addi %add3A_235, %add3A_437 : i32
        %dma_start3A_439 = arith.constant 0 : i32
        %dma_start3A_440 = tpu.memref_slice %arg5[%add3A_438, %dma_start3A_439] : memref<200x64xi32, #tpu.memory_space<vmem>> -> memref<1x64xi32, #tpu.memory_space<vmem>>
        %dma_start3A_441 = tpu.memref_squeeze %dma_start3A_440 : memref<1x64xi32, #tpu.memory_space<vmem>> -> memref<64xi32, #tpu.memory_space<vmem>>
        %dma_start3A_442 = arith.constant 0 : i32
        %dma_start3A_443 = arith.constant 0 : i32
        %dma_start3A_444 = tpu.memref_slice %arg3[%dma_start3A_442, %dma_start3A_443] : memref<100000x64xf32, #tpu.memory_space<hbm>> -> memref<100000x64xf32, #tpu.memory_space<hbm>>
        tpu.enqueue_indirect_dma source(%dma_start3A_444 : memref<100000x64xf32, #tpu.memory_space<hbm>>) target(%arg14 : memref<64x64xf32, #tpu.memory_space<vmem>>) offsets(%dma_start3A_441 : memref<64xi32, #tpu.memory_space<vmem>>) semaphore(%arg30 : memref<!tpu.dma_semaphore, #tpu.memory_space<semaphore_mem>>)
        %dma_start3A_445 = arith.constant 0 : i32
        %dma_start3A_446 = tpu.memref_slice %arg6[%add3A_438, %dma_start3A_445] : memref<200x64xi32, #tpu.memory_space<vmem>> -> memref<1x64xi32, #tpu.memory_space<vmem>>
        %dma_start3A_447 = tpu.memref_squeeze %dma_start3A_446 : memref<1x64xi32, #tpu.memory_space<vmem>> -> memref<64xi32, #tpu.memory_space<vmem>>
        %dma_start3A_448 = arith.constant 0 : i32
        %dma_start3A_449 = arith.constant 0 : i32
        %dma_start3A_450 = tpu.memref_slice %arg3[%dma_start3A_448, %dma_start3A_449] : memref<100000x64xf32, #tpu.memory_space<hbm>> -> memref<100000x64xf32, #tpu.memory_space<hbm>>
        tpu.enqueue_indirect_dma source(%dma_start3A_450 : memref<100000x64xf32, #tpu.memory_space<hbm>>) target(%arg22 : memref<64x64xf32, #tpu.memory_space<vmem>>) offsets(%dma_start3A_447 : memref<64xi32, #tpu.memory_space<vmem>>) semaphore(%arg30 : memref<!tpu.dma_semaphore, #tpu.memory_space<semaphore_mem>>)
      } else {
      }
      %mul3A_262 = arith.constant 2048 : i32
      %mul3A_263 = arith.muli %add3A_235, %mul3A_262 : i32
      %add3A_264 = arith.addi %mul3A_263, %mul3A_2 : i32
      %dma_start3A_265 = arith.constant 0 : i32
      %dma_start3A_266 = tpu.memref_slice %arg4[%add3A_264, %dma_start3A_265] : memref<409600x128xf32, #tpu.memory_space<hbm>> -> memref<64x64xf32, #tpu.memory_space<hbm>>
      %dma_start3A_267 = arith.constant 0 : i32
      %dma_start3A_268 = tpu.memref_slice %arg4[%add3A_264, %dma_start3A_267] : memref<409600x128xf32, #tpu.memory_space<hbm>> -> memref<64x64xf32, #tpu.memory_space<hbm>>
      tpu.enqueue_dma source(%arg10 : memref<64x64xf32, #tpu.memory_space<vmem>>) target(%dma_start3A_268 : memref<64x64xf32, #tpu.memory_space<hbm>>) target_semaphore(%arg34 : memref<!tpu.dma_semaphore, #tpu.memory_space<semaphore_mem>>)
      %dma_start3A_269 = arith.constant 64 : i32
      %dma_start3A_270 = tpu.memref_slice %arg4[%add3A_264, %dma_start3A_269] : memref<409600x128xf32, #tpu.memory_space<hbm>> -> memref<64x64xf32, #tpu.memory_space<hbm>>
      %dma_start3A_271 = arith.constant 64 : i32
      %dma_start3A_272 = tpu.memref_slice %arg4[%add3A_264, %dma_start3A_271] : memref<409600x128xf32, #tpu.memory_space<hbm>> -> memref<64x64xf32, #tpu.memory_space<hbm>>
      tpu.enqueue_dma source(%arg18 : memref<64x64xf32, #tpu.memory_space<vmem>>) target(%dma_start3A_272 : memref<64x64xf32, #tpu.memory_space<hbm>>) target_semaphore(%arg34 : memref<!tpu.dma_semaphore, #tpu.memory_space<semaphore_mem>>)
      %mul3A_273 = arith.constant 8 : i32
      %mul3A_274 = arith.muli %scan3A_112, %mul3A_273 : i32
      %add3A_275 = arith.constant 4 : i32
      %add3A_276 = arith.addi %mul3A_274, %add3A_275 : i32
      %dma_wait3A_277 = arith.constant 0 : i32
      %dma_wait3A_278 = arith.constant 0 : i32
      %dma_wait3A_279 = tpu.memref_slice %arg5[%dma_wait3A_277, %dma_wait3A_278] : memref<200x64xi32, #tpu.memory_space<vmem>> -> memref<1x64xi32, #tpu.memory_space<vmem>>
      %dma_wait3A_280 = tpu.memref_squeeze %dma_wait3A_279 : memref<1x64xi32, #tpu.memory_space<vmem>> -> memref<64xi32, #tpu.memory_space<vmem>>
      %dma_wait3A_281 = arith.constant 0 : i32
      %dma_wait3A_282 = arith.constant 0 : i32
      %dma_wait3A_283 = tpu.memref_slice %arg3[%dma_wait3A_281, %dma_wait3A_282] : memref<100000x64xf32, #tpu.memory_space<hbm>> -> memref<100000x64xf32, #tpu.memory_space<hbm>>
      tpu.wait_indirect_dma semaphore(%arg27 : memref<!tpu.dma_semaphore, #tpu.memory_space<semaphore_mem>>) src(%dma_wait3A_283 : memref<100000x64xf32, #tpu.memory_space<hbm>>) dst(%arg11 : memref<64x64xf32, #tpu.memory_space<vmem>>)
      %dma_wait3A_284 = arith.constant 0 : i32
      %dma_wait3A_285 = arith.constant 0 : i32
      %dma_wait3A_286 = tpu.memref_slice %arg6[%dma_wait3A_284, %dma_wait3A_285] : memref<200x64xi32, #tpu.memory_space<vmem>> -> memref<1x64xi32, #tpu.memory_space<vmem>>
      %dma_wait3A_287 = tpu.memref_squeeze %dma_wait3A_286 : memref<1x64xi32, #tpu.memory_space<vmem>> -> memref<64xi32, #tpu.memory_space<vmem>>
      %dma_wait3A_288 = arith.constant 0 : i32
      %dma_wait3A_289 = arith.constant 0 : i32
      %dma_wait3A_290 = tpu.memref_slice %arg3[%dma_wait3A_288, %dma_wait3A_289] : memref<100000x64xf32, #tpu.memory_space<hbm>> -> memref<100000x64xf32, #tpu.memory_space<hbm>>
      tpu.wait_indirect_dma semaphore(%arg27 : memref<!tpu.dma_semaphore, #tpu.memory_space<semaphore_mem>>) src(%dma_wait3A_290 : memref<100000x64xf32, #tpu.memory_space<hbm>>) dst(%arg19 : memref<64x64xf32, #tpu.memory_space<vmem>>)
      %ge3A_291 = arith.constant 4 : i32
      %ge3A_292 = arith.cmpi sge, %add3A_276, %ge3A_291 : i32
      %convert_element_type3A_293 = arith.extui %ge3A_292 : i1 to i32
      %cond3A_294 = arith.constant 0 : i32
      %cond3A_295 = arith.cmpi ne, %convert_element_type3A_293, %cond3A_294 : i32
      scf.if %cond3A_295 {
        %dma_wait3A_437 = arith.constant 0 : i32
        %dma_wait3A_438 = arith.constant 0 : i32
        %dma_wait3A_439 = tpu.memref_slice %arg4[%dma_wait3A_437, %dma_wait3A_438] : memref<409600x128xf32, #tpu.memory_space<hbm>> -> memref<64x64xf32, #tpu.memory_space<hbm>>
        %dma_wait3A_440 = arith.constant 0 : i32
        %dma_wait3A_441 = arith.constant 0 : i32
        %dma_wait3A_442 = tpu.memref_slice %arg4[%dma_wait3A_440, %dma_wait3A_441] : memref<409600x128xf32, #tpu.memory_space<hbm>> -> memref<64x64xf32, #tpu.memory_space<hbm>>
        tpu.wait_dma2 semaphore(%arg31 : memref<!tpu.dma_semaphore, #tpu.memory_space<semaphore_mem>>) src(%arg7 : memref<64x64xf32, #tpu.memory_space<vmem>>) dst(%dma_wait3A_442 : memref<64x64xf32, #tpu.memory_space<hbm>>)
        %dma_wait3A_443 = arith.constant 0 : i32
        %dma_wait3A_444 = arith.constant 64 : i32
        %dma_wait3A_445 = tpu.memref_slice %arg4[%dma_wait3A_443, %dma_wait3A_444] : memref<409600x128xf32, #tpu.memory_space<hbm>> -> memref<64x64xf32, #tpu.memory_space<hbm>>
        %dma_wait3A_446 = arith.constant 0 : i32
        %dma_wait3A_447 = arith.constant 64 : i32
        %dma_wait3A_448 = tpu.memref_slice %arg4[%dma_wait3A_446, %dma_wait3A_447] : memref<409600x128xf32, #tpu.memory_space<hbm>> -> memref<64x64xf32, #tpu.memory_space<hbm>>
        tpu.wait_dma2 semaphore(%arg31 : memref<!tpu.dma_semaphore, #tpu.memory_space<semaphore_mem>>) src(%arg15 : memref<64x64xf32, #tpu.memory_space<vmem>>) dst(%dma_wait3A_448 : memref<64x64xf32, #tpu.memory_space<hbm>>)
      } else {
      }
      %add3A_296 = arith.constant 4 : i32
      %add3A_297 = arith.addi %add3A_276, %add3A_296 : i32
      %lt3A_298 = arith.constant 200 : i32
      %lt3A_299 = arith.cmpi slt, %add3A_297, %lt3A_298 : i32
      %convert_element_type3A_300 = arith.extui %lt3A_299 : i1 to i32
      %cond3A_301 = arith.constant 0 : i32
      %cond3A_302 = arith.cmpi ne, %convert_element_type3A_300, %cond3A_301 : i32
      scf.if %cond3A_302 {
        %add3A_437 = arith.constant 4 : i32
        %add3A_438 = arith.addi %add3A_276, %add3A_437 : i32
        %dma_start3A_439 = arith.constant 0 : i32
        %dma_start3A_440 = tpu.memref_slice %arg5[%add3A_438, %dma_start3A_439] : memref<200x64xi32, #tpu.memory_space<vmem>> -> memref<1x64xi32, #tpu.memory_space<vmem>>
        %dma_start3A_441 = tpu.memref_squeeze %dma_start3A_440 : memref<1x64xi32, #tpu.memory_space<vmem>> -> memref<64xi32, #tpu.memory_space<vmem>>
        %dma_start3A_442 = arith.constant 0 : i32
        %dma_start3A_443 = arith.constant 0 : i32
        %dma_start3A_444 = tpu.memref_slice %arg3[%dma_start3A_442, %dma_start3A_443] : memref<100000x64xf32, #tpu.memory_space<hbm>> -> memref<100000x64xf32, #tpu.memory_space<hbm>>
        tpu.enqueue_indirect_dma source(%dma_start3A_444 : memref<100000x64xf32, #tpu.memory_space<hbm>>) target(%arg7 : memref<64x64xf32, #tpu.memory_space<vmem>>) offsets(%dma_start3A_441 : memref<64xi32, #tpu.memory_space<vmem>>) semaphore(%arg23 : memref<!tpu.dma_semaphore, #tpu.memory_space<semaphore_mem>>)
        %dma_start3A_445 = arith.constant 0 : i32
        %dma_start3A_446 = tpu.memref_slice %arg6[%add3A_438, %dma_start3A_445] : memref<200x64xi32, #tpu.memory_space<vmem>> -> memref<1x64xi32, #tpu.memory_space<vmem>>
        %dma_start3A_447 = tpu.memref_squeeze %dma_start3A_446 : memref<1x64xi32, #tpu.memory_space<vmem>> -> memref<64xi32, #tpu.memory_space<vmem>>
        %dma_start3A_448 = arith.constant 0 : i32
        %dma_start3A_449 = arith.constant 0 : i32
        %dma_start3A_450 = tpu.memref_slice %arg3[%dma_start3A_448, %dma_start3A_449] : memref<100000x64xf32, #tpu.memory_space<hbm>> -> memref<100000x64xf32, #tpu.memory_space<hbm>>
        tpu.enqueue_indirect_dma source(%dma_start3A_450 : memref<100000x64xf32, #tpu.memory_space<hbm>>) target(%arg15 : memref<64x64xf32, #tpu.memory_space<vmem>>) offsets(%dma_start3A_447 : memref<64xi32, #tpu.memory_space<vmem>>) semaphore(%arg23 : memref<!tpu.dma_semaphore, #tpu.memory_space<semaphore_mem>>)
      } else {
      }
      %mul3A_303 = arith.constant 2048 : i32
      %mul3A_304 = arith.muli %add3A_276, %mul3A_303 : i32
      %add3A_305 = arith.addi %mul3A_304, %mul3A_2 : i32
      %dma_start3A_306 = arith.constant 0 : i32
      %dma_start3A_307 = tpu.memref_slice %arg4[%add3A_305, %dma_start3A_306] : memref<409600x128xf32, #tpu.memory_space<hbm>> -> memref<64x64xf32, #tpu.memory_space<hbm>>
      %dma_start3A_308 = arith.constant 0 : i32
      %dma_start3A_309 = tpu.memref_slice %arg4[%add3A_305, %dma_start3A_308] : memref<409600x128xf32, #tpu.memory_space<hbm>> -> memref<64x64xf32, #tpu.memory_space<hbm>>
      tpu.enqueue_dma source(%arg11 : memref<64x64xf32, #tpu.memory_space<vmem>>) target(%dma_start3A_309 : memref<64x64xf32, #tpu.memory_space<hbm>>) target_semaphore(%arg35 : memref<!tpu.dma_semaphore, #tpu.memory_space<semaphore_mem>>)
      %dma_start3A_310 = arith.constant 64 : i32
      %dma_start3A_311 = tpu.memref_slice %arg4[%add3A_305, %dma_start3A_310] : memref<409600x128xf32, #tpu.memory_space<hbm>> -> memref<64x64xf32, #tpu.memory_space<hbm>>
      %dma_start3A_312 = arith.constant 64 : i32
      %dma_start3A_313 = tpu.memref_slice %arg4[%add3A_305, %dma_start3A_312] : memref<409600x128xf32, #tpu.memory_space<hbm>> -> memref<64x64xf32, #tpu.memory_space<hbm>>
      tpu.enqueue_dma source(%arg19 : memref<64x64xf32, #tpu.memory_space<vmem>>) target(%dma_start3A_313 : memref<64x64xf32, #tpu.memory_space<hbm>>) target_semaphore(%arg35 : memref<!tpu.dma_semaphore, #tpu.memory_space<semaphore_mem>>)
      %mul3A_314 = arith.constant 8 : i32
      %mul3A_315 = arith.muli %scan3A_112, %mul3A_314 : i32
      %add3A_316 = arith.constant 5 : i32
      %add3A_317 = arith.addi %mul3A_315, %add3A_316 : i32
      %dma_wait3A_318 = arith.constant 0 : i32
      %dma_wait3A_319 = arith.constant 0 : i32
      %dma_wait3A_320 = tpu.memref_slice %arg5[%dma_wait3A_318, %dma_wait3A_319] : memref<200x64xi32, #tpu.memory_space<vmem>> -> memref<1x64xi32, #tpu.memory_space<vmem>>
      %dma_wait3A_321 = tpu.memref_squeeze %dma_wait3A_320 : memref<1x64xi32, #tpu.memory_space<vmem>> -> memref<64xi32, #tpu.memory_space<vmem>>
      %dma_wait3A_322 = arith.constant 0 : i32
      %dma_wait3A_323 = arith.constant 0 : i32
      %dma_wait3A_324 = tpu.memref_slice %arg3[%dma_wait3A_322, %dma_wait3A_323] : memref<100000x64xf32, #tpu.memory_space<hbm>> -> memref<100000x64xf32, #tpu.memory_space<hbm>>
      tpu.wait_indirect_dma semaphore(%arg28 : memref<!tpu.dma_semaphore, #tpu.memory_space<semaphore_mem>>) src(%dma_wait3A_324 : memref<100000x64xf32, #tpu.memory_space<hbm>>) dst(%arg12 : memref<64x64xf32, #tpu.memory_space<vmem>>)
      %dma_wait3A_325 = arith.constant 0 : i32
      %dma_wait3A_326 = arith.constant 0 : i32
      %dma_wait3A_327 = tpu.memref_slice %arg6[%dma_wait3A_325, %dma_wait3A_326] : memref<200x64xi32, #tpu.memory_space<vmem>> -> memref<1x64xi32, #tpu.memory_space<vmem>>
      %dma_wait3A_328 = tpu.memref_squeeze %dma_wait3A_327 : memref<1x64xi32, #tpu.memory_space<vmem>> -> memref<64xi32, #tpu.memory_space<vmem>>
      %dma_wait3A_329 = arith.constant 0 : i32
      %dma_wait3A_330 = arith.constant 0 : i32
      %dma_wait3A_331 = tpu.memref_slice %arg3[%dma_wait3A_329, %dma_wait3A_330] : memref<100000x64xf32, #tpu.memory_space<hbm>> -> memref<100000x64xf32, #tpu.memory_space<hbm>>
      tpu.wait_indirect_dma semaphore(%arg28 : memref<!tpu.dma_semaphore, #tpu.memory_space<semaphore_mem>>) src(%dma_wait3A_331 : memref<100000x64xf32, #tpu.memory_space<hbm>>) dst(%arg20 : memref<64x64xf32, #tpu.memory_space<vmem>>)
      %ge3A_332 = arith.constant 4 : i32
      %ge3A_333 = arith.cmpi sge, %add3A_317, %ge3A_332 : i32
      %convert_element_type3A_334 = arith.extui %ge3A_333 : i1 to i32
      %cond3A_335 = arith.constant 0 : i32
      %cond3A_336 = arith.cmpi ne, %convert_element_type3A_334, %cond3A_335 : i32
      scf.if %cond3A_336 {
        %dma_wait3A_437 = arith.constant 0 : i32
        %dma_wait3A_438 = arith.constant 0 : i32
        %dma_wait3A_439 = tpu.memref_slice %arg4[%dma_wait3A_437, %dma_wait3A_438] : memref<409600x128xf32, #tpu.memory_space<hbm>> -> memref<64x64xf32, #tpu.memory_space<hbm>>
        %dma_wait3A_440 = arith.constant 0 : i32
        %dma_wait3A_441 = arith.constant 0 : i32
        %dma_wait3A_442 = tpu.memref_slice %arg4[%dma_wait3A_440, %dma_wait3A_441] : memref<409600x128xf32, #tpu.memory_space<hbm>> -> memref<64x64xf32, #tpu.memory_space<hbm>>
        tpu.wait_dma2 semaphore(%arg32 : memref<!tpu.dma_semaphore, #tpu.memory_space<semaphore_mem>>) src(%arg8 : memref<64x64xf32, #tpu.memory_space<vmem>>) dst(%dma_wait3A_442 : memref<64x64xf32, #tpu.memory_space<hbm>>)
        %dma_wait3A_443 = arith.constant 0 : i32
        %dma_wait3A_444 = arith.constant 64 : i32
        %dma_wait3A_445 = tpu.memref_slice %arg4[%dma_wait3A_443, %dma_wait3A_444] : memref<409600x128xf32, #tpu.memory_space<hbm>> -> memref<64x64xf32, #tpu.memory_space<hbm>>
        %dma_wait3A_446 = arith.constant 0 : i32
        %dma_wait3A_447 = arith.constant 64 : i32
        %dma_wait3A_448 = tpu.memref_slice %arg4[%dma_wait3A_446, %dma_wait3A_447] : memref<409600x128xf32, #tpu.memory_space<hbm>> -> memref<64x64xf32, #tpu.memory_space<hbm>>
        tpu.wait_dma2 semaphore(%arg32 : memref<!tpu.dma_semaphore, #tpu.memory_space<semaphore_mem>>) src(%arg16 : memref<64x64xf32, #tpu.memory_space<vmem>>) dst(%dma_wait3A_448 : memref<64x64xf32, #tpu.memory_space<hbm>>)
      } else {
      }
      %add3A_337 = arith.constant 4 : i32
      %add3A_338 = arith.addi %add3A_317, %add3A_337 : i32
      %lt3A_339 = arith.constant 200 : i32
      %lt3A_340 = arith.cmpi slt, %add3A_338, %lt3A_339 : i32
      %convert_element_type3A_341 = arith.extui %lt3A_340 : i1 to i32
      %cond3A_342 = arith.constant 0 : i32
      %cond3A_343 = arith.cmpi ne, %convert_element_type3A_341, %cond3A_342 : i32
      scf.if %cond3A_343 {
        %add3A_437 = arith.constant 4 : i32
        %add3A_438 = arith.addi %add3A_317, %add3A_437 : i32
        %dma_start3A_439 = arith.constant 0 : i32
        %dma_start3A_440 = tpu.memref_slice %arg5[%add3A_438, %dma_start3A_439] : memref<200x64xi32, #tpu.memory_space<vmem>> -> memref<1x64xi32, #tpu.memory_space<vmem>>
        %dma_start3A_441 = tpu.memref_squeeze %dma_start3A_440 : memref<1x64xi32, #tpu.memory_space<vmem>> -> memref<64xi32, #tpu.memory_space<vmem>>
        %dma_start3A_442 = arith.constant 0 : i32
        %dma_start3A_443 = arith.constant 0 : i32
        %dma_start3A_444 = tpu.memref_slice %arg3[%dma_start3A_442, %dma_start3A_443] : memref<100000x64xf32, #tpu.memory_space<hbm>> -> memref<100000x64xf32, #tpu.memory_space<hbm>>
        tpu.enqueue_indirect_dma source(%dma_start3A_444 : memref<100000x64xf32, #tpu.memory_space<hbm>>) target(%arg8 : memref<64x64xf32, #tpu.memory_space<vmem>>) offsets(%dma_start3A_441 : memref<64xi32, #tpu.memory_space<vmem>>) semaphore(%arg24 : memref<!tpu.dma_semaphore, #tpu.memory_space<semaphore_mem>>)
        %dma_start3A_445 = arith.constant 0 : i32
        %dma_start3A_446 = tpu.memref_slice %arg6[%add3A_438, %dma_start3A_445] : memref<200x64xi32, #tpu.memory_space<vmem>> -> memref<1x64xi32, #tpu.memory_space<vmem>>
        %dma_start3A_447 = tpu.memref_squeeze %dma_start3A_446 : memref<1x64xi32, #tpu.memory_space<vmem>> -> memref<64xi32, #tpu.memory_space<vmem>>
        %dma_start3A_448 = arith.constant 0 : i32
        %dma_start3A_449 = arith.constant 0 : i32
        %dma_start3A_450 = tpu.memref_slice %arg3[%dma_start3A_448, %dma_start3A_449] : memref<100000x64xf32, #tpu.memory_space<hbm>> -> memref<100000x64xf32, #tpu.memory_space<hbm>>
        tpu.enqueue_indirect_dma source(%dma_start3A_450 : memref<100000x64xf32, #tpu.memory_space<hbm>>) target(%arg16 : memref<64x64xf32, #tpu.memory_space<vmem>>) offsets(%dma_start3A_447 : memref<64xi32, #tpu.memory_space<vmem>>) semaphore(%arg24 : memref<!tpu.dma_semaphore, #tpu.memory_space<semaphore_mem>>)
      } else {
      }
      %mul3A_344 = arith.constant 2048 : i32
      %mul3A_345 = arith.muli %add3A_317, %mul3A_344 : i32
      %add3A_346 = arith.addi %mul3A_345, %mul3A_2 : i32
      %dma_start3A_347 = arith.constant 0 : i32
      %dma_start3A_348 = tpu.memref_slice %arg4[%add3A_346, %dma_start3A_347] : memref<409600x128xf32, #tpu.memory_space<hbm>> -> memref<64x64xf32, #tpu.memory_space<hbm>>
      %dma_start3A_349 = arith.constant 0 : i32
      %dma_start3A_350 = tpu.memref_slice %arg4[%add3A_346, %dma_start3A_349] : memref<409600x128xf32, #tpu.memory_space<hbm>> -> memref<64x64xf32, #tpu.memory_space<hbm>>
      tpu.enqueue_dma source(%arg12 : memref<64x64xf32, #tpu.memory_space<vmem>>) target(%dma_start3A_350 : memref<64x64xf32, #tpu.memory_space<hbm>>) target_semaphore(%arg36 : memref<!tpu.dma_semaphore, #tpu.memory_space<semaphore_mem>>)
      %dma_start3A_351 = arith.constant 64 : i32
      %dma_start3A_352 = tpu.memref_slice %arg4[%add3A_346, %dma_start3A_351] : memref<409600x128xf32, #tpu.memory_space<hbm>> -> memref<64x64xf32, #tpu.memory_space<hbm>>
      %dma_start3A_353 = arith.constant 64 : i32
      %dma_start3A_354 = tpu.memref_slice %arg4[%add3A_346, %dma_start3A_353] : memref<409600x128xf32, #tpu.memory_space<hbm>> -> memref<64x64xf32, #tpu.memory_space<hbm>>
      tpu.enqueue_dma source(%arg20 : memref<64x64xf32, #tpu.memory_space<vmem>>) target(%dma_start3A_354 : memref<64x64xf32, #tpu.memory_space<hbm>>) target_semaphore(%arg36 : memref<!tpu.dma_semaphore, #tpu.memory_space<semaphore_mem>>)
      %mul3A_355 = arith.constant 8 : i32
      %mul3A_356 = arith.muli %scan3A_112, %mul3A_355 : i32
      %add3A_357 = arith.constant 6 : i32
      %add3A_358 = arith.addi %mul3A_356, %add3A_357 : i32
      %dma_wait3A_359 = arith.constant 0 : i32
      %dma_wait3A_360 = arith.constant 0 : i32
      %dma_wait3A_361 = tpu.memref_slice %arg5[%dma_wait3A_359, %dma_wait3A_360] : memref<200x64xi32, #tpu.memory_space<vmem>> -> memref<1x64xi32, #tpu.memory_space<vmem>>
      %dma_wait3A_362 = tpu.memref_squeeze %dma_wait3A_361 : memref<1x64xi32, #tpu.memory_space<vmem>> -> memref<64xi32, #tpu.memory_space<vmem>>
      %dma_wait3A_363 = arith.constant 0 : i32
      %dma_wait3A_364 = arith.constant 0 : i32
      %dma_wait3A_365 = tpu.memref_slice %arg3[%dma_wait3A_363, %dma_wait3A_364] : memref<100000x64xf32, #tpu.memory_space<hbm>> -> memref<100000x64xf32, #tpu.memory_space<hbm>>
      tpu.wait_indirect_dma semaphore(%arg29 : memref<!tpu.dma_semaphore, #tpu.memory_space<semaphore_mem>>) src(%dma_wait3A_365 : memref<100000x64xf32, #tpu.memory_space<hbm>>) dst(%arg13 : memref<64x64xf32, #tpu.memory_space<vmem>>)
      %dma_wait3A_366 = arith.constant 0 : i32
      %dma_wait3A_367 = arith.constant 0 : i32
      %dma_wait3A_368 = tpu.memref_slice %arg6[%dma_wait3A_366, %dma_wait3A_367] : memref<200x64xi32, #tpu.memory_space<vmem>> -> memref<1x64xi32, #tpu.memory_space<vmem>>
      %dma_wait3A_369 = tpu.memref_squeeze %dma_wait3A_368 : memref<1x64xi32, #tpu.memory_space<vmem>> -> memref<64xi32, #tpu.memory_space<vmem>>
      %dma_wait3A_370 = arith.constant 0 : i32
      %dma_wait3A_371 = arith.constant 0 : i32
      %dma_wait3A_372 = tpu.memref_slice %arg3[%dma_wait3A_370, %dma_wait3A_371] : memref<100000x64xf32, #tpu.memory_space<hbm>> -> memref<100000x64xf32, #tpu.memory_space<hbm>>
      tpu.wait_indirect_dma semaphore(%arg29 : memref<!tpu.dma_semaphore, #tpu.memory_space<semaphore_mem>>) src(%dma_wait3A_372 : memref<100000x64xf32, #tpu.memory_space<hbm>>) dst(%arg21 : memref<64x64xf32, #tpu.memory_space<vmem>>)
      %ge3A_373 = arith.constant 4 : i32
      %ge3A_374 = arith.cmpi sge, %add3A_358, %ge3A_373 : i32
      %convert_element_type3A_375 = arith.extui %ge3A_374 : i1 to i32
      %cond3A_376 = arith.constant 0 : i32
      %cond3A_377 = arith.cmpi ne, %convert_element_type3A_375, %cond3A_376 : i32
      scf.if %cond3A_377 {
        %dma_wait3A_437 = arith.constant 0 : i32
        %dma_wait3A_438 = arith.constant 0 : i32
        %dma_wait3A_439 = tpu.memref_slice %arg4[%dma_wait3A_437, %dma_wait3A_438] : memref<409600x128xf32, #tpu.memory_space<hbm>> -> memref<64x64xf32, #tpu.memory_space<hbm>>
        %dma_wait3A_440 = arith.constant 0 : i32
        %dma_wait3A_441 = arith.constant 0 : i32
        %dma_wait3A_442 = tpu.memref_slice %arg4[%dma_wait3A_440, %dma_wait3A_441] : memref<409600x128xf32, #tpu.memory_space<hbm>> -> memref<64x64xf32, #tpu.memory_space<hbm>>
        tpu.wait_dma2 semaphore(%arg33 : memref<!tpu.dma_semaphore, #tpu.memory_space<semaphore_mem>>) src(%arg9 : memref<64x64xf32, #tpu.memory_space<vmem>>) dst(%dma_wait3A_442 : memref<64x64xf32, #tpu.memory_space<hbm>>)
        %dma_wait3A_443 = arith.constant 0 : i32
        %dma_wait3A_444 = arith.constant 64 : i32
        %dma_wait3A_445 = tpu.memref_slice %arg4[%dma_wait3A_443, %dma_wait3A_444] : memref<409600x128xf32, #tpu.memory_space<hbm>> -> memref<64x64xf32, #tpu.memory_space<hbm>>
        %dma_wait3A_446 = arith.constant 0 : i32
        %dma_wait3A_447 = arith.constant 64 : i32
        %dma_wait3A_448 = tpu.memref_slice %arg4[%dma_wait3A_446, %dma_wait3A_447] : memref<409600x128xf32, #tpu.memory_space<hbm>> -> memref<64x64xf32, #tpu.memory_space<hbm>>
        tpu.wait_dma2 semaphore(%arg33 : memref<!tpu.dma_semaphore, #tpu.memory_space<semaphore_mem>>) src(%arg17 : memref<64x64xf32, #tpu.memory_space<vmem>>) dst(%dma_wait3A_448 : memref<64x64xf32, #tpu.memory_space<hbm>>)
      } else {
      }
      %add3A_378 = arith.constant 4 : i32
      %add3A_379 = arith.addi %add3A_358, %add3A_378 : i32
      %lt3A_380 = arith.constant 200 : i32
      %lt3A_381 = arith.cmpi slt, %add3A_379, %lt3A_380 : i32
      %convert_element_type3A_382 = arith.extui %lt3A_381 : i1 to i32
      %cond3A_383 = arith.constant 0 : i32
      %cond3A_384 = arith.cmpi ne, %convert_element_type3A_382, %cond3A_383 : i32
      scf.if %cond3A_384 {
        %add3A_437 = arith.constant 4 : i32
        %add3A_438 = arith.addi %add3A_358, %add3A_437 : i32
        %dma_start3A_439 = arith.constant 0 : i32
        %dma_start3A_440 = tpu.memref_slice %arg5[%add3A_438, %dma_start3A_439] : memref<200x64xi32, #tpu.memory_space<vmem>> -> memref<1x64xi32, #tpu.memory_space<vmem>>
        %dma_start3A_441 = tpu.memref_squeeze %dma_start3A_440 : memref<1x64xi32, #tpu.memory_space<vmem>> -> memref<64xi32, #tpu.memory_space<vmem>>
        %dma_start3A_442 = arith.constant 0 : i32
        %dma_start3A_443 = arith.constant 0 : i32
        %dma_start3A_444 = tpu.memref_slice %arg3[%dma_start3A_442, %dma_start3A_443] : memref<100000x64xf32, #tpu.memory_space<hbm>> -> memref<100000x64xf32, #tpu.memory_space<hbm>>
        tpu.enqueue_indirect_dma source(%dma_start3A_444 : memref<100000x64xf32, #tpu.memory_space<hbm>>) target(%arg9 : memref<64x64xf32, #tpu.memory_space<vmem>>) offsets(%dma_start3A_441 : memref<64xi32, #tpu.memory_space<vmem>>) semaphore(%arg25 : memref<!tpu.dma_semaphore, #tpu.memory_space<semaphore_mem>>)
        %dma_start3A_445 = arith.constant 0 : i32
        %dma_start3A_446 = tpu.memref_slice %arg6[%add3A_438, %dma_start3A_445] : memref<200x64xi32, #tpu.memory_space<vmem>> -> memref<1x64xi32, #tpu.memory_space<vmem>>
        %dma_start3A_447 = tpu.memref_squeeze %dma_start3A_446 : memref<1x64xi32, #tpu.memory_space<vmem>> -> memref<64xi32, #tpu.memory_space<vmem>>
        %dma_start3A_448 = arith.constant 0 : i32
        %dma_start3A_449 = arith.constant 0 : i32
        %dma_start3A_450 = tpu.memref_slice %arg3[%dma_start3A_448, %dma_start3A_449] : memref<100000x64xf32, #tpu.memory_space<hbm>> -> memref<100000x64xf32, #tpu.memory_space<hbm>>
        tpu.enqueue_indirect_dma source(%dma_start3A_450 : memref<100000x64xf32, #tpu.memory_space<hbm>>) target(%arg17 : memref<64x64xf32, #tpu.memory_space<vmem>>) offsets(%dma_start3A_447 : memref<64xi32, #tpu.memory_space<vmem>>) semaphore(%arg25 : memref<!tpu.dma_semaphore, #tpu.memory_space<semaphore_mem>>)
      } else {
      }
      %mul3A_385 = arith.constant 2048 : i32
      %mul3A_386 = arith.muli %add3A_358, %mul3A_385 : i32
      %add3A_387 = arith.addi %mul3A_386, %mul3A_2 : i32
      %dma_start3A_388 = arith.constant 0 : i32
      %dma_start3A_389 = tpu.memref_slice %arg4[%add3A_387, %dma_start3A_388] : memref<409600x128xf32, #tpu.memory_space<hbm>> -> memref<64x64xf32, #tpu.memory_space<hbm>>
      %dma_start3A_390 = arith.constant 0 : i32
      %dma_start3A_391 = tpu.memref_slice %arg4[%add3A_387, %dma_start3A_390] : memref<409600x128xf32, #tpu.memory_space<hbm>> -> memref<64x64xf32, #tpu.memory_space<hbm>>
      tpu.enqueue_dma source(%arg13 : memref<64x64xf32, #tpu.memory_space<vmem>>) target(%dma_start3A_391 : memref<64x64xf32, #tpu.memory_space<hbm>>) target_semaphore(%arg37 : memref<!tpu.dma_semaphore, #tpu.memory_space<semaphore_mem>>)
      %dma_start3A_392 = arith.constant 64 : i32
      %dma_start3A_393 = tpu.memref_slice %arg4[%add3A_387, %dma_start3A_392] : memref<409600x128xf32, #tpu.memory_space<hbm>> -> memref<64x64xf32, #tpu.memory_space<hbm>>
      %dma_start3A_394 = arith.constant 64 : i32
      %dma_start3A_395 = tpu.memref_slice %arg4[%add3A_387, %dma_start3A_394] : memref<409600x128xf32, #tpu.memory_space<hbm>> -> memref<64x64xf32, #tpu.memory_space<hbm>>
      tpu.enqueue_dma source(%arg21 : memref<64x64xf32, #tpu.memory_space<vmem>>) target(%dma_start3A_395 : memref<64x64xf32, #tpu.memory_space<hbm>>) target_semaphore(%arg37 : memref<!tpu.dma_semaphore, #tpu.memory_space<semaphore_mem>>)
      %mul3A_396 = arith.constant 8 : i32
      %mul3A_397 = arith.muli %scan3A_112, %mul3A_396 : i32
      %add3A_398 = arith.constant 7 : i32
      %add3A_399 = arith.addi %mul3A_397, %add3A_398 : i32
      %dma_wait3A_400 = arith.constant 0 : i32
      %dma_wait3A_401 = arith.constant 0 : i32
      %dma_wait3A_402 = tpu.memref_slice %arg5[%dma_wait3A_400, %dma_wait3A_401] : memref<200x64xi32, #tpu.memory_space<vmem>> -> memref<1x64xi32, #tpu.memory_space<vmem>>
      %dma_wait3A_403 = tpu.memref_squeeze %dma_wait3A_402 : memref<1x64xi32, #tpu.memory_space<vmem>> -> memref<64xi32, #tpu.memory_space<vmem>>
      %dma_wait3A_404 = arith.constant 0 : i32
      %dma_wait3A_405 = arith.constant 0 : i32
      %dma_wait3A_406 = tpu.memref_slice %arg3[%dma_wait3A_404, %dma_wait3A_405] : memref<100000x64xf32, #tpu.memory_space<hbm>> -> memref<100000x64xf32, #tpu.memory_space<hbm>>
      tpu.wait_indirect_dma semaphore(%arg30 : memref<!tpu.dma_semaphore, #tpu.memory_space<semaphore_mem>>) src(%dma_wait3A_406 : memref<100000x64xf32, #tpu.memory_space<hbm>>) dst(%arg14 : memref<64x64xf32, #tpu.memory_space<vmem>>)
      %dma_wait3A_407 = arith.constant 0 : i32
      %dma_wait3A_408 = arith.constant 0 : i32
      %dma_wait3A_409 = tpu.memref_slice %arg6[%dma_wait3A_407, %dma_wait3A_408] : memref<200x64xi32, #tpu.memory_space<vmem>> -> memref<1x64xi32, #tpu.memory_space<vmem>>
      %dma_wait3A_410 = tpu.memref_squeeze %dma_wait3A_409 : memref<1x64xi32, #tpu.memory_space<vmem>> -> memref<64xi32, #tpu.memory_space<vmem>>
      %dma_wait3A_411 = arith.constant 0 : i32
      %dma_wait3A_412 = arith.constant 0 : i32
      %dma_wait3A_413 = tpu.memref_slice %arg3[%dma_wait3A_411, %dma_wait3A_412] : memref<100000x64xf32, #tpu.memory_space<hbm>> -> memref<100000x64xf32, #tpu.memory_space<hbm>>
      tpu.wait_indirect_dma semaphore(%arg30 : memref<!tpu.dma_semaphore, #tpu.memory_space<semaphore_mem>>) src(%dma_wait3A_413 : memref<100000x64xf32, #tpu.memory_space<hbm>>) dst(%arg22 : memref<64x64xf32, #tpu.memory_space<vmem>>)
      %ge3A_414 = arith.constant 4 : i32
      %ge3A_415 = arith.cmpi sge, %add3A_399, %ge3A_414 : i32
      %convert_element_type3A_416 = arith.extui %ge3A_415 : i1 to i32
      %cond3A_417 = arith.constant 0 : i32
      %cond3A_418 = arith.cmpi ne, %convert_element_type3A_416, %cond3A_417 : i32
      scf.if %cond3A_418 {
        %dma_wait3A_437 = arith.constant 0 : i32
        %dma_wait3A_438 = arith.constant 0 : i32
        %dma_wait3A_439 = tpu.memref_slice %arg4[%dma_wait3A_437, %dma_wait3A_438] : memref<409600x128xf32, #tpu.memory_space<hbm>> -> memref<64x64xf32, #tpu.memory_space<hbm>>
        %dma_wait3A_440 = arith.constant 0 : i32
        %dma_wait3A_441 = arith.constant 0 : i32
        %dma_wait3A_442 = tpu.memref_slice %arg4[%dma_wait3A_440, %dma_wait3A_441] : memref<409600x128xf32, #tpu.memory_space<hbm>> -> memref<64x64xf32, #tpu.memory_space<hbm>>
        tpu.wait_dma2 semaphore(%arg34 : memref<!tpu.dma_semaphore, #tpu.memory_space<semaphore_mem>>) src(%arg10 : memref<64x64xf32, #tpu.memory_space<vmem>>) dst(%dma_wait3A_442 : memref<64x64xf32, #tpu.memory_space<hbm>>)
        %dma_wait3A_443 = arith.constant 0 : i32
        %dma_wait3A_444 = arith.constant 64 : i32
        %dma_wait3A_445 = tpu.memref_slice %arg4[%dma_wait3A_443, %dma_wait3A_444] : memref<409600x128xf32, #tpu.memory_space<hbm>> -> memref<64x64xf32, #tpu.memory_space<hbm>>
        %dma_wait3A_446 = arith.constant 0 : i32
        %dma_wait3A_447 = arith.constant 64 : i32
        %dma_wait3A_448 = tpu.memref_slice %arg4[%dma_wait3A_446, %dma_wait3A_447] : memref<409600x128xf32, #tpu.memory_space<hbm>> -> memref<64x64xf32, #tpu.memory_space<hbm>>
        tpu.wait_dma2 semaphore(%arg34 : memref<!tpu.dma_semaphore, #tpu.memory_space<semaphore_mem>>) src(%arg18 : memref<64x64xf32, #tpu.memory_space<vmem>>) dst(%dma_wait3A_448 : memref<64x64xf32, #tpu.memory_space<hbm>>)
      } else {
      }
      %add3A_419 = arith.constant 4 : i32
      %add3A_420 = arith.addi %add3A_399, %add3A_419 : i32
      %lt3A_421 = arith.constant 200 : i32
      %lt3A_422 = arith.cmpi slt, %add3A_420, %lt3A_421 : i32
      %convert_element_type3A_423 = arith.extui %lt3A_422 : i1 to i32
      %cond3A_424 = arith.constant 0 : i32
      %cond3A_425 = arith.cmpi ne, %convert_element_type3A_423, %cond3A_424 : i32
      scf.if %cond3A_425 {
        %add3A_437 = arith.constant 4 : i32
        %add3A_438 = arith.addi %add3A_399, %add3A_437 : i32
        %dma_start3A_439 = arith.constant 0 : i32
        %dma_start3A_440 = tpu.memref_slice %arg5[%add3A_438, %dma_start3A_439] : memref<200x64xi32, #tpu.memory_space<vmem>> -> memref<1x64xi32, #tpu.memory_space<vmem>>
        %dma_start3A_441 = tpu.memref_squeeze %dma_start3A_440 : memref<1x64xi32, #tpu.memory_space<vmem>> -> memref<64xi32, #tpu.memory_space<vmem>>
        %dma_start3A_442 = arith.constant 0 : i32
        %dma_start3A_443 = arith.constant 0 : i32
        %dma_start3A_444 = tpu.memref_slice %arg3[%dma_start3A_442, %dma_start3A_443] : memref<100000x64xf32, #tpu.memory_space<hbm>> -> memref<100000x64xf32, #tpu.memory_space<hbm>>
        tpu.enqueue_indirect_dma source(%dma_start3A_444 : memref<100000x64xf32, #tpu.memory_space<hbm>>) target(%arg10 : memref<64x64xf32, #tpu.memory_space<vmem>>) offsets(%dma_start3A_441 : memref<64xi32, #tpu.memory_space<vmem>>) semaphore(%arg26 : memref<!tpu.dma_semaphore, #tpu.memory_space<semaphore_mem>>)
        %dma_start3A_445 = arith.constant 0 : i32
        %dma_start3A_446 = tpu.memref_slice %arg6[%add3A_438, %dma_start3A_445] : memref<200x64xi32, #tpu.memory_space<vmem>> -> memref<1x64xi32, #tpu.memory_space<vmem>>
        %dma_start3A_447 = tpu.memref_squeeze %dma_start3A_446 : memref<1x64xi32, #tpu.memory_space<vmem>> -> memref<64xi32, #tpu.memory_space<vmem>>
        %dma_start3A_448 = arith.constant 0 : i32
        %dma_start3A_449 = arith.constant 0 : i32
        %dma_start3A_450 = tpu.memref_slice %arg3[%dma_start3A_448, %dma_start3A_449] : memref<100000x64xf32, #tpu.memory_space<hbm>> -> memref<100000x64xf32, #tpu.memory_space<hbm>>
        tpu.enqueue_indirect_dma source(%dma_start3A_450 : memref<100000x64xf32, #tpu.memory_space<hbm>>) target(%arg18 : memref<64x64xf32, #tpu.memory_space<vmem>>) offsets(%dma_start3A_447 : memref<64xi32, #tpu.memory_space<vmem>>) semaphore(%arg26 : memref<!tpu.dma_semaphore, #tpu.memory_space<semaphore_mem>>)
      } else {
      }
      %mul3A_426 = arith.constant 2048 : i32
      %mul3A_427 = arith.muli %add3A_399, %mul3A_426 : i32
      %add3A_428 = arith.addi %mul3A_427, %mul3A_2 : i32
      %dma_start3A_429 = arith.constant 0 : i32
      %dma_start3A_430 = tpu.memref_slice %arg4[%add3A_428, %dma_start3A_429] : memref<409600x128xf32, #tpu.memory_space<hbm>> -> memref<64x64xf32, #tpu.memory_space<hbm>>
      %dma_start3A_431 = arith.constant 0 : i32
      %dma_start3A_432 = tpu.memref_slice %arg4[%add3A_428, %dma_start3A_431] : memref<409600x128xf32, #tpu.memory_space<hbm>> -> memref<64x64xf32, #tpu.memory_space<hbm>>
      tpu.enqueue_dma source(%arg14 : memref<64x64xf32, #tpu.memory_space<vmem>>) target(%dma_start3A_432 : memref<64x64xf32, #tpu.memory_space<hbm>>) target_semaphore(%arg38 : memref<!tpu.dma_semaphore, #tpu.memory_space<semaphore_mem>>)
      %dma_start3A_433 = arith.constant 64 : i32
      %dma_start3A_434 = tpu.memref_slice %arg4[%add3A_428, %dma_start3A_433] : memref<409600x128xf32, #tpu.memory_space<hbm>> -> memref<64x64xf32, #tpu.memory_space<hbm>>
      %dma_start3A_435 = arith.constant 64 : i32
      %dma_start3A_436 = tpu.memref_slice %arg4[%add3A_428, %dma_start3A_435] : memref<409600x128xf32, #tpu.memory_space<hbm>> -> memref<64x64xf32, #tpu.memory_space<hbm>>
      tpu.enqueue_dma source(%arg22 : memref<64x64xf32, #tpu.memory_space<vmem>>) target(%dma_start3A_436 : memref<64x64xf32, #tpu.memory_space<hbm>>) target_semaphore(%arg38 : memref<!tpu.dma_semaphore, #tpu.memory_space<semaphore_mem>>)
    }
    %scan3A_64 = arith.constant 25 : i32
    %dma_wait3A = arith.constant 0 : i32
    %dma_wait3A_65 = arith.constant 0 : i32
    %dma_wait3A_66 = tpu.memref_slice %arg4[%dma_wait3A, %dma_wait3A_65] : memref<409600x128xf32, #tpu.memory_space<hbm>> -> memref<64x64xf32, #tpu.memory_space<hbm>>
    %dma_wait3A_67 = arith.constant 0 : i32
    %dma_wait3A_68 = arith.constant 0 : i32
    %dma_wait3A_69 = tpu.memref_slice %arg4[%dma_wait3A_67, %dma_wait3A_68] : memref<409600x128xf32, #tpu.memory_space<hbm>> -> memref<64x64xf32, #tpu.memory_space<hbm>>
    tpu.wait_dma2 semaphore(%arg35 : memref<!tpu.dma_semaphore, #tpu.memory_space<semaphore_mem>>) src(%arg11 : memref<64x64xf32, #tpu.memory_space<vmem>>) dst(%dma_wait3A_69 : memref<64x64xf32, #tpu.memory_space<hbm>>)
    %dma_wait3A_70 = arith.constant 0 : i32
    %dma_wait3A_71 = arith.constant 64 : i32
    %dma_wait3A_72 = tpu.memref_slice %arg4[%dma_wait3A_70, %dma_wait3A_71] : memref<409600x128xf32, #tpu.memory_space<hbm>> -> memref<64x64xf32, #tpu.memory_space<hbm>>
    %dma_wait3A_73 = arith.constant 0 : i32
    %dma_wait3A_74 = arith.constant 64 : i32
    %dma_wait3A_75 = tpu.memref_slice %arg4[%dma_wait3A_73, %dma_wait3A_74] : memref<409600x128xf32, #tpu.memory_space<hbm>> -> memref<64x64xf32, #tpu.memory_space<hbm>>
    tpu.wait_dma2 semaphore(%arg35 : memref<!tpu.dma_semaphore, #tpu.memory_space<semaphore_mem>>) src(%arg19 : memref<64x64xf32, #tpu.memory_space<vmem>>) dst(%dma_wait3A_75 : memref<64x64xf32, #tpu.memory_space<hbm>>)
    %dma_wait3A_76 = arith.constant 0 : i32
    %dma_wait3A_77 = arith.constant 0 : i32
    %dma_wait3A_78 = tpu.memref_slice %arg4[%dma_wait3A_76, %dma_wait3A_77] : memref<409600x128xf32, #tpu.memory_space<hbm>> -> memref<64x64xf32, #tpu.memory_space<hbm>>
    %dma_wait3A_79 = arith.constant 0 : i32
    %dma_wait3A_80 = arith.constant 0 : i32
    %dma_wait3A_81 = tpu.memref_slice %arg4[%dma_wait3A_79, %dma_wait3A_80] : memref<409600x128xf32, #tpu.memory_space<hbm>> -> memref<64x64xf32, #tpu.memory_space<hbm>>
    tpu.wait_dma2 semaphore(%arg36 : memref<!tpu.dma_semaphore, #tpu.memory_space<semaphore_mem>>) src(%arg12 : memref<64x64xf32, #tpu.memory_space<vmem>>) dst(%dma_wait3A_81 : memref<64x64xf32, #tpu.memory_space<hbm>>)
    %dma_wait3A_82 = arith.constant 0 : i32
    %dma_wait3A_83 = arith.constant 64 : i32
    %dma_wait3A_84 = tpu.memref_slice %arg4[%dma_wait3A_82, %dma_wait3A_83] : memref<409600x128xf32, #tpu.memory_space<hbm>> -> memref<64x64xf32, #tpu.memory_space<hbm>>
    %dma_wait3A_85 = arith.constant 0 : i32
    %dma_wait3A_86 = arith.constant 64 : i32
    %dma_wait3A_87 = tpu.memref_slice %arg4[%dma_wait3A_85, %dma_wait3A_86] : memref<409600x128xf32, #tpu.memory_space<hbm>> -> memref<64x64xf32, #tpu.memory_space<hbm>>
    tpu.wait_dma2 semaphore(%arg36 : memref<!tpu.dma_semaphore, #tpu.memory_space<semaphore_mem>>) src(%arg20 : memref<64x64xf32, #tpu.memory_space<vmem>>) dst(%dma_wait3A_87 : memref<64x64xf32, #tpu.memory_space<hbm>>)
    %dma_wait3A_88 = arith.constant 0 : i32
    %dma_wait3A_89 = arith.constant 0 : i32
    %dma_wait3A_90 = tpu.memref_slice %arg4[%dma_wait3A_88, %dma_wait3A_89] : memref<409600x128xf32, #tpu.memory_space<hbm>> -> memref<64x64xf32, #tpu.memory_space<hbm>>
    %dma_wait3A_91 = arith.constant 0 : i32
    %dma_wait3A_92 = arith.constant 0 : i32
    %dma_wait3A_93 = tpu.memref_slice %arg4[%dma_wait3A_91, %dma_wait3A_92] : memref<409600x128xf32, #tpu.memory_space<hbm>> -> memref<64x64xf32, #tpu.memory_space<hbm>>
    tpu.wait_dma2 semaphore(%arg37 : memref<!tpu.dma_semaphore, #tpu.memory_space<semaphore_mem>>) src(%arg13 : memref<64x64xf32, #tpu.memory_space<vmem>>) dst(%dma_wait3A_93 : memref<64x64xf32, #tpu.memory_space<hbm>>)
    %dma_wait3A_94 = arith.constant 0 : i32
    %dma_wait3A_95 = arith.constant 64 : i32
    %dma_wait3A_96 = tpu.memref_slice %arg4[%dma_wait3A_94, %dma_wait3A_95] : memref<409600x128xf32, #tpu.memory_space<hbm>> -> memref<64x64xf32, #tpu.memory_space<hbm>>
    %dma_wait3A_97 = arith.constant 0 : i32
    %dma_wait3A_98 = arith.constant 64 : i32
    %dma_wait3A_99 = tpu.memref_slice %arg4[%dma_wait3A_97, %dma_wait3A_98] : memref<409600x128xf32, #tpu.memory_space<hbm>> -> memref<64x64xf32, #tpu.memory_space<hbm>>
    tpu.wait_dma2 semaphore(%arg37 : memref<!tpu.dma_semaphore, #tpu.memory_space<semaphore_mem>>) src(%arg21 : memref<64x64xf32, #tpu.memory_space<vmem>>) dst(%dma_wait3A_99 : memref<64x64xf32, #tpu.memory_space<hbm>>)
    %dma_wait3A_100 = arith.constant 0 : i32
    %dma_wait3A_101 = arith.constant 0 : i32
    %dma_wait3A_102 = tpu.memref_slice %arg4[%dma_wait3A_100, %dma_wait3A_101] : memref<409600x128xf32, #tpu.memory_space<hbm>> -> memref<64x64xf32, #tpu.memory_space<hbm>>
    %dma_wait3A_103 = arith.constant 0 : i32
    %dma_wait3A_104 = arith.constant 0 : i32
    %dma_wait3A_105 = tpu.memref_slice %arg4[%dma_wait3A_103, %dma_wait3A_104] : memref<409600x128xf32, #tpu.memory_space<hbm>> -> memref<64x64xf32, #tpu.memory_space<hbm>>
    tpu.wait_dma2 semaphore(%arg38 : memref<!tpu.dma_semaphore, #tpu.memory_space<semaphore_mem>>) src(%arg14 : memref<64x64xf32, #tpu.memory_space<vmem>>) dst(%dma_wait3A_105 : memref<64x64xf32, #tpu.memory_space<hbm>>)
    %dma_wait3A_106 = arith.constant 0 : i32
    %dma_wait3A_107 = arith.constant 64 : i32
    %dma_wait3A_108 = tpu.memref_slice %arg4[%dma_wait3A_106, %dma_wait3A_107] : memref<409600x128xf32, #tpu.memory_space<hbm>> -> memref<64x64xf32, #tpu.memory_space<hbm>>
    %dma_wait3A_109 = arith.constant 0 : i32
    %dma_wait3A_110 = arith.constant 64 : i32
    %dma_wait3A_111 = tpu.memref_slice %arg4[%dma_wait3A_109, %dma_wait3A_110] : memref<409600x128xf32, #tpu.memory_space<hbm>> -> memref<64x64xf32, #tpu.memory_space<hbm>>
    tpu.wait_dma2 semaphore(%arg38 : memref<!tpu.dma_semaphore, #tpu.memory_space<semaphore_mem>>) src(%arg22 : memref<64x64xf32, #tpu.memory_space<vmem>>) dst(%dma_wait3A_111 : memref<64x64xf32, #tpu.memory_space<hbm>>)
    return
  }
}

module attributes {stable_mosaic.version = 14 : i64} {
  func.func @body(%arg0: i32, %arg1: memref<5x2048x128xf32, #tpu.memory_space<vmem>>, %arg2: memref<512x64xf32, #tpu.memory_space<vmem>>, %arg3: memref<5x64x4096xf32, #tpu.memory_space<vmem>>) attributes {dimension_semantics = [#tpu.dimension_semantics<arbitrary>], iteration_bounds = array<i64: 40>, scalar_prefetch = 0 : i64, scratch_operands = 0 : i64, tpu.core_type = #tpu.core_type<tc>, window_params = [{transform_indices = @transform_0, window_bounds = array<i64: 5, 2048, 128>}, {pipeline_mode = #tpu.pipeline_mode<synchronous>, transform_indices = @transform_1, window_bounds = array<i64: 512, 64>}, {transform_indices = @transform_2, window_bounds = array<i64: 5, 64, 4096>}]} {
    %iota3A = tpu.iota {dimensions = array<i32: 0>} : vector<64x64xi32>
    %iota3A_0 = tpu.iota {dimensions = array<i32: 1>} : vector<64x64xi32>
    %eq3A = arith.cmpi eq, %iota3A, %iota3A_0 : vector<64x64xi32>
    %jit3A = arith.constant 8.000000e+00 : f32
    %jit3A_1 = arith.constant 0.000000e+00 : f32
    %broadcast_in_dim3A = vector.broadcast %jit3A : f32 to vector<64x64xf32>
    %broadcast_in_dim3A_2 = vector.broadcast %jit3A_1 : f32 to vector<64x64xf32>
    %select_n3A = arith.select %eq3A, %broadcast_in_dim3A, %broadcast_in_dim3A_2 : vector<64x64xi1>, vector<64x64xf32>
    %get3A = arith.constant 0 : index
    %get3A_3 = arith.constant 0 : index
    %get3A_4 = arith.constant 0 : index
    %get3A_5 = vector.load %arg1[%get3A, %get3A_3, %get3A_4] : memref<5x2048x128xf32, #tpu.memory_space<vmem>>, vector<1x2048x128xf32>
    %get3A_6 = vector.shape_cast %get3A_5 : vector<1x2048x128xf32> to vector<2048x128xf32>
    %mul3A = arith.constant 5 : i32
    %mul3A_7 = arith.muli %arg0, %mul3A : i32
    %add3A = arith.constant 0 : i32
    %add3A_8 = arith.addi %mul3A_7, %add3A : i32
    %get3A_9 = arith.index_cast %add3A_8 : i32 to index
    %get3A_10 = arith.constant 0 : index
    %get3A_11 = vector.load %arg2[%get3A_9, %get3A_10] : memref<512x64xf32, #tpu.memory_space<vmem>>, vector<1x64xf32>
    %slice3A = vector.extract_strided_slice %get3A_6 {offsets = [0, 0], sizes = [2048, 64], strides = [1, 1]} : vector<2048x128xf32> to vector<2048x64xf32>
    %dot_general3A = arith.constant dense<0.000000e+00> : vector<64x2048xf32>
    %dot_general3A_12 = tpu.matmul %select_n3A, %slice3A, %dot_general3A {dimension_numbers = #tpu.dot_dimension_numbers<[1], [1], [0], [0], [0, 0, 1, 0], [], []>, transpose_lhs_hint = false} : vector<64x64xf32>, vector<2048x64xf32>, vector<64x2048xf32> -> vector<64x2048xf32>
    %transpose3A = tpu.transpose %get3A_11, [1, 0] : vector<1x64xf32> -> vector<64x1xf32>
    %add3A_13 = vector.broadcast %transpose3A : vector<64x1xf32> to vector<64x2048xf32>
    %add3A_14 = arith.addf %dot_general3A_12, %add3A_13 : vector<64x2048xf32>
    %swap3A = arith.constant 0 : index
    %swap3A_15 = arith.constant 0 : index
    %swap3A_16 = arith.constant 0 : index
    %swap3A_17 = vector.load %arg3[%swap3A, %swap3A_15, %swap3A_16] : memref<5x64x4096xf32, #tpu.memory_space<vmem>>, vector<1x64x2048xf32>
    %swap3A_18 = vector.shape_cast %swap3A_17 : vector<1x64x2048xf32> to vector<64x2048xf32>
    %swap3A_19 = vector.shape_cast %add3A_14 : vector<64x2048xf32> to vector<1x64x2048xf32>
    tpu.vector_store %arg3[%swap3A, %swap3A_15, %swap3A_16], %swap3A_19 {strides = array<i32>} : memref<5x64x4096xf32, #tpu.memory_space<vmem>>, vector<1x64x2048xf32>,
    %slice3A_20 = vector.extract_strided_slice %get3A_6 {offsets = [0, 64], sizes = [2048, 64], strides = [1, 1]} : vector<2048x128xf32> to vector<2048x64xf32>
    %dot_general3A_21 = arith.constant dense<0.000000e+00> : vector<64x2048xf32>
    %dot_general3A_22 = tpu.matmul %select_n3A, %slice3A_20, %dot_general3A_21 {dimension_numbers = #tpu.dot_dimension_numbers<[1], [1], [0], [0], [0, 0, 1, 0], [], []>, transpose_lhs_hint = false} : vector<64x64xf32>, vector<2048x64xf32>, vector<64x2048xf32> -> vector<64x2048xf32>
    %transpose3A_23 = tpu.transpose %get3A_11, [1, 0] : vector<1x64xf32> -> vector<64x1xf32>
    %add3A_24 = vector.broadcast %transpose3A_23 : vector<64x1xf32> to vector<64x2048xf32>
    %add3A_25 = arith.addf %dot_general3A_22, %add3A_24 : vector<64x2048xf32>
    %swap3A_26 = arith.constant 0 : index
    %swap3A_27 = arith.constant 0 : index
    %swap3A_28 = arith.constant 2048 : index
    %swap3A_29 = vector.load %arg3[%swap3A_26, %swap3A_27, %swap3A_28] : memref<5x64x4096xf32, #tpu.memory_space<vmem>>, vector<1x64x2048xf32>
    %swap3A_30 = vector.shape_cast %swap3A_29 : vector<1x64x2048xf32> to vector<64x2048xf32>
    %swap3A_31 = vector.shape_cast %add3A_25 : vector<64x2048xf32> to vector<1x64x2048xf32>
    tpu.vector_store %arg3[%swap3A_26, %swap3A_27, %swap3A_28], %swap3A_31 {strides = array<i32>} : memref<5x64x4096xf32, #tpu.memory_space<vmem>>, vector<1x64x2048xf32>,
    %get3A_32 = arith.constant 1 : index
    %get3A_33 = arith.constant 0 : index
    %get3A_34 = arith.constant 0 : index
    %get3A_35 = vector.load %arg1[%get3A_32, %get3A_33, %get3A_34] : memref<5x2048x128xf32, #tpu.memory_space<vmem>>, vector<1x2048x128xf32>
    %get3A_36 = vector.shape_cast %get3A_35 : vector<1x2048x128xf32> to vector<2048x128xf32>
    %mul3A_37 = arith.constant 5 : i32
    %mul3A_38 = arith.muli %arg0, %mul3A_37 : i32
    %add3A_39 = arith.constant 1 : i32
    %add3A_40 = arith.addi %mul3A_38, %add3A_39 : i32
    %get3A_41 = arith.index_cast %add3A_40 : i32 to index
    %get3A_42 = arith.constant 0 : index
    %get3A_43 = vector.load %arg2[%get3A_41, %get3A_42] : memref<512x64xf32, #tpu.memory_space<vmem>>, vector<1x64xf32>
    %slice3A_44 = vector.extract_strided_slice %get3A_36 {offsets = [0, 0], sizes = [2048, 64], strides = [1, 1]} : vector<2048x128xf32> to vector<2048x64xf32>
    %dot_general3A_45 = arith.constant dense<0.000000e+00> : vector<64x2048xf32>
    %dot_general3A_46 = tpu.matmul %select_n3A, %slice3A_44, %dot_general3A_45 {dimension_numbers = #tpu.dot_dimension_numbers<[1], [1], [0], [0], [0, 0, 1, 0], [], []>, transpose_lhs_hint = false} : vector<64x64xf32>, vector<2048x64xf32>, vector<64x2048xf32> -> vector<64x2048xf32>
    %transpose3A_47 = tpu.transpose %get3A_43, [1, 0] : vector<1x64xf32> -> vector<64x1xf32>
    %add3A_48 = vector.broadcast %transpose3A_47 : vector<64x1xf32> to vector<64x2048xf32>
    %add3A_49 = arith.addf %dot_general3A_46, %add3A_48 : vector<64x2048xf32>
    %swap3A_50 = arith.constant 1 : index
    %swap3A_51 = arith.constant 0 : index
    %swap3A_52 = arith.constant 0 : index
    %swap3A_53 = vector.load %arg3[%swap3A_50, %swap3A_51, %swap3A_52] : memref<5x64x4096xf32, #tpu.memory_space<vmem>>, vector<1x64x2048xf32>
    %swap3A_54 = vector.shape_cast %swap3A_53 : vector<1x64x2048xf32> to vector<64x2048xf32>
    %swap3A_55 = vector.shape_cast %add3A_49 : vector<64x2048xf32> to vector<1x64x2048xf32>
    tpu.vector_store %arg3[%swap3A_50, %swap3A_51, %swap3A_52], %swap3A_55 {strides = array<i32>} : memref<5x64x4096xf32, #tpu.memory_space<vmem>>, vector<1x64x2048xf32>,
    %slice3A_56 = vector.extract_strided_slice %get3A_36 {offsets = [0, 64], sizes = [2048, 64], strides = [1, 1]} : vector<2048x128xf32> to vector<2048x64xf32>
    %dot_general3A_57 = arith.constant dense<0.000000e+00> : vector<64x2048xf32>
    %dot_general3A_58 = tpu.matmul %select_n3A, %slice3A_56, %dot_general3A_57 {dimension_numbers = #tpu.dot_dimension_numbers<[1], [1], [0], [0], [0, 0, 1, 0], [], []>, transpose_lhs_hint = false} : vector<64x64xf32>, vector<2048x64xf32>, vector<64x2048xf32> -> vector<64x2048xf32>
    %transpose3A_59 = tpu.transpose %get3A_43, [1, 0] : vector<1x64xf32> -> vector<64x1xf32>
    %add3A_60 = vector.broadcast %transpose3A_59 : vector<64x1xf32> to vector<64x2048xf32>
    %add3A_61 = arith.addf %dot_general3A_58, %add3A_60 : vector<64x2048xf32>
    %swap3A_62 = arith.constant 1 : index
    %swap3A_63 = arith.constant 0 : index
    %swap3A_64 = arith.constant 2048 : index
    %swap3A_65 = vector.load %arg3[%swap3A_62, %swap3A_63, %swap3A_64] : memref<5x64x4096xf32, #tpu.memory_space<vmem>>, vector<1x64x2048xf32>
    %swap3A_66 = vector.shape_cast %swap3A_65 : vector<1x64x2048xf32> to vector<64x2048xf32>
    %swap3A_67 = vector.shape_cast %add3A_61 : vector<64x2048xf32> to vector<1x64x2048xf32>
    tpu.vector_store %arg3[%swap3A_62, %swap3A_63, %swap3A_64], %swap3A_67 {strides = array<i32>} : memref<5x64x4096xf32, #tpu.memory_space<vmem>>, vector<1x64x2048xf32>,
    %get3A_68 = arith.constant 2 : index
    %get3A_69 = arith.constant 0 : index
    %get3A_70 = arith.constant 0 : index
    %get3A_71 = vector.load %arg1[%get3A_68, %get3A_69, %get3A_70] : memref<5x2048x128xf32, #tpu.memory_space<vmem>>, vector<1x2048x128xf32>
    %get3A_72 = vector.shape_cast %get3A_71 : vector<1x2048x128xf32> to vector<2048x128xf32>
    %mul3A_73 = arith.constant 5 : i32
    %mul3A_74 = arith.muli %arg0, %mul3A_73 : i32
    %add3A_75 = arith.constant 2 : i32
    %add3A_76 = arith.addi %mul3A_74, %add3A_75 : i32
    %get3A_77 = arith.index_cast %add3A_76 : i32 to index
    %get3A_78 = arith.constant 0 : index
    %get3A_79 = vector.load %arg2[%get3A_77, %get3A_78] : memref<512x64xf32, #tpu.memory_space<vmem>>, vector<1x64xf32>
    %slice3A_80 = vector.extract_strided_slice %get3A_72 {offsets = [0, 0], sizes = [2048, 64], strides = [1, 1]} : vector<2048x128xf32> to vector<2048x64xf32>
    %dot_general3A_81 = arith.constant dense<0.000000e+00> : vector<64x2048xf32>
    %dot_general3A_82 = tpu.matmul %select_n3A, %slice3A_80, %dot_general3A_81 {dimension_numbers = #tpu.dot_dimension_numbers<[1], [1], [0], [0], [0, 0, 1, 0], [], []>, transpose_lhs_hint = false} : vector<64x64xf32>, vector<2048x64xf32>, vector<64x2048xf32> -> vector<64x2048xf32>
    %transpose3A_83 = tpu.transpose %get3A_79, [1, 0] : vector<1x64xf32> -> vector<64x1xf32>
    %add3A_84 = vector.broadcast %transpose3A_83 : vector<64x1xf32> to vector<64x2048xf32>
    %add3A_85 = arith.addf %dot_general3A_82, %add3A_84 : vector<64x2048xf32>
    %swap3A_86 = arith.constant 2 : index
    %swap3A_87 = arith.constant 0 : index
    %swap3A_88 = arith.constant 0 : index
    %swap3A_89 = vector.load %arg3[%swap3A_86, %swap3A_87, %swap3A_88] : memref<5x64x4096xf32, #tpu.memory_space<vmem>>, vector<1x64x2048xf32>
    %swap3A_90 = vector.shape_cast %swap3A_89 : vector<1x64x2048xf32> to vector<64x2048xf32>
    %swap3A_91 = vector.shape_cast %add3A_85 : vector<64x2048xf32> to vector<1x64x2048xf32>
    tpu.vector_store %arg3[%swap3A_86, %swap3A_87, %swap3A_88], %swap3A_91 {strides = array<i32>} : memref<5x64x4096xf32, #tpu.memory_space<vmem>>, vector<1x64x2048xf32>,
    %slice3A_92 = vector.extract_strided_slice %get3A_72 {offsets = [0, 64], sizes = [2048, 64], strides = [1, 1]} : vector<2048x128xf32> to vector<2048x64xf32>
    %dot_general3A_93 = arith.constant dense<0.000000e+00> : vector<64x2048xf32>
    %dot_general3A_94 = tpu.matmul %select_n3A, %slice3A_92, %dot_general3A_93 {dimension_numbers = #tpu.dot_dimension_numbers<[1], [1], [0], [0], [0, 0, 1, 0], [], []>, transpose_lhs_hint = false} : vector<64x64xf32>, vector<2048x64xf32>, vector<64x2048xf32> -> vector<64x2048xf32>
    %transpose3A_95 = tpu.transpose %get3A_79, [1, 0] : vector<1x64xf32> -> vector<64x1xf32>
    %add3A_96 = vector.broadcast %transpose3A_95 : vector<64x1xf32> to vector<64x2048xf32>
    %add3A_97 = arith.addf %dot_general3A_94, %add3A_96 : vector<64x2048xf32>
    %swap3A_98 = arith.constant 2 : index
    %swap3A_99 = arith.constant 0 : index
    %swap3A_100 = arith.constant 2048 : index
    %swap3A_101 = vector.load %arg3[%swap3A_98, %swap3A_99, %swap3A_100] : memref<5x64x4096xf32, #tpu.memory_space<vmem>>, vector<1x64x2048xf32>
    %swap3A_102 = vector.shape_cast %swap3A_101 : vector<1x64x2048xf32> to vector<64x2048xf32>
    %swap3A_103 = vector.shape_cast %add3A_97 : vector<64x2048xf32> to vector<1x64x2048xf32>
    tpu.vector_store %arg3[%swap3A_98, %swap3A_99, %swap3A_100], %swap3A_103 {strides = array<i32>} : memref<5x64x4096xf32, #tpu.memory_space<vmem>>, vector<1x64x2048xf32>,
    %get3A_104 = arith.constant 3 : index
    %get3A_105 = arith.constant 0 : index
    %get3A_106 = arith.constant 0 : index
    %get3A_107 = vector.load %arg1[%get3A_104, %get3A_105, %get3A_106] : memref<5x2048x128xf32, #tpu.memory_space<vmem>>, vector<1x2048x128xf32>
    %get3A_108 = vector.shape_cast %get3A_107 : vector<1x2048x128xf32> to vector<2048x128xf32>
    %mul3A_109 = arith.constant 5 : i32
    %mul3A_110 = arith.muli %arg0, %mul3A_109 : i32
    %add3A_111 = arith.constant 3 : i32
    %add3A_112 = arith.addi %mul3A_110, %add3A_111 : i32
    %get3A_113 = arith.index_cast %add3A_112 : i32 to index
    %get3A_114 = arith.constant 0 : index
    %get3A_115 = vector.load %arg2[%get3A_113, %get3A_114] : memref<512x64xf32, #tpu.memory_space<vmem>>, vector<1x64xf32>
    %slice3A_116 = vector.extract_strided_slice %get3A_108 {offsets = [0, 0], sizes = [2048, 64], strides = [1, 1]} : vector<2048x128xf32> to vector<2048x64xf32>
    %dot_general3A_117 = arith.constant dense<0.000000e+00> : vector<64x2048xf32>
    %dot_general3A_118 = tpu.matmul %select_n3A, %slice3A_116, %dot_general3A_117 {dimension_numbers = #tpu.dot_dimension_numbers<[1], [1], [0], [0], [0, 0, 1, 0], [], []>, transpose_lhs_hint = false} : vector<64x64xf32>, vector<2048x64xf32>, vector<64x2048xf32> -> vector<64x2048xf32>
    %transpose3A_119 = tpu.transpose %get3A_115, [1, 0] : vector<1x64xf32> -> vector<64x1xf32>
    %add3A_120 = vector.broadcast %transpose3A_119 : vector<64x1xf32> to vector<64x2048xf32>
    %add3A_121 = arith.addf %dot_general3A_118, %add3A_120 : vector<64x2048xf32>
    %swap3A_122 = arith.constant 3 : index
    %swap3A_123 = arith.constant 0 : index
    %swap3A_124 = arith.constant 0 : index
    %swap3A_125 = vector.load %arg3[%swap3A_122, %swap3A_123, %swap3A_124] : memref<5x64x4096xf32, #tpu.memory_space<vmem>>, vector<1x64x2048xf32>
    %swap3A_126 = vector.shape_cast %swap3A_125 : vector<1x64x2048xf32> to vector<64x2048xf32>
    %swap3A_127 = vector.shape_cast %add3A_121 : vector<64x2048xf32> to vector<1x64x2048xf32>
    tpu.vector_store %arg3[%swap3A_122, %swap3A_123, %swap3A_124], %swap3A_127 {strides = array<i32>} : memref<5x64x4096xf32, #tpu.memory_space<vmem>>, vector<1x64x2048xf32>,
    %slice3A_128 = vector.extract_strided_slice %get3A_108 {offsets = [0, 64], sizes = [2048, 64], strides = [1, 1]} : vector<2048x128xf32> to vector<2048x64xf32>
    %dot_general3A_129 = arith.constant dense<0.000000e+00> : vector<64x2048xf32>
    %dot_general3A_130 = tpu.matmul %select_n3A, %slice3A_128, %dot_general3A_129 {dimension_numbers = #tpu.dot_dimension_numbers<[1], [1], [0], [0], [0, 0, 1, 0], [], []>, transpose_lhs_hint = false} : vector<64x64xf32>, vector<2048x64xf32>, vector<64x2048xf32> -> vector<64x2048xf32>
    %transpose3A_131 = tpu.transpose %get3A_115, [1, 0] : vector<1x64xf32> -> vector<64x1xf32>
    %add3A_132 = vector.broadcast %transpose3A_131 : vector<64x1xf32> to vector<64x2048xf32>
    %add3A_133 = arith.addf %dot_general3A_130, %add3A_132 : vector<64x2048xf32>
    %swap3A_134 = arith.constant 3 : index
    %swap3A_135 = arith.constant 0 : index
    %swap3A_136 = arith.constant 2048 : index
    %swap3A_137 = vector.load %arg3[%swap3A_134, %swap3A_135, %swap3A_136] : memref<5x64x4096xf32, #tpu.memory_space<vmem>>, vector<1x64x2048xf32>
    %swap3A_138 = vector.shape_cast %swap3A_137 : vector<1x64x2048xf32> to vector<64x2048xf32>
    %swap3A_139 = vector.shape_cast %add3A_133 : vector<64x2048xf32> to vector<1x64x2048xf32>
    tpu.vector_store %arg3[%swap3A_134, %swap3A_135, %swap3A_136], %swap3A_139 {strides = array<i32>} : memref<5x64x4096xf32, #tpu.memory_space<vmem>>, vector<1x64x2048xf32>,
    %get3A_140 = arith.constant 4 : index
    %get3A_141 = arith.constant 0 : index
    %get3A_142 = arith.constant 0 : index
    %get3A_143 = vector.load %arg1[%get3A_140, %get3A_141, %get3A_142] : memref<5x2048x128xf32, #tpu.memory_space<vmem>>, vector<1x2048x128xf32>
    %get3A_144 = vector.shape_cast %get3A_143 : vector<1x2048x128xf32> to vector<2048x128xf32>
    %mul3A_145 = arith.constant 5 : i32
    %mul3A_146 = arith.muli %arg0, %mul3A_145 : i32
    %add3A_147 = arith.constant 4 : i32
    %add3A_148 = arith.addi %mul3A_146, %add3A_147 : i32
    %get3A_149 = arith.index_cast %add3A_148 : i32 to index
    %get3A_150 = arith.constant 0 : index
    %get3A_151 = vector.load %arg2[%get3A_149, %get3A_150] : memref<512x64xf32, #tpu.memory_space<vmem>>, vector<1x64xf32>
    %slice3A_152 = vector.extract_strided_slice %get3A_144 {offsets = [0, 0], sizes = [2048, 64], strides = [1, 1]} : vector<2048x128xf32> to vector<2048x64xf32>
    %dot_general3A_153 = arith.constant dense<0.000000e+00> : vector<64x2048xf32>
    %dot_general3A_154 = tpu.matmul %select_n3A, %slice3A_152, %dot_general3A_153 {dimension_numbers = #tpu.dot_dimension_numbers<[1], [1], [0], [0], [0, 0, 1, 0], [], []>, transpose_lhs_hint = false} : vector<64x64xf32>, vector<2048x64xf32>, vector<64x2048xf32> -> vector<64x2048xf32>
    %transpose3A_155 = tpu.transpose %get3A_151, [1, 0] : vector<1x64xf32> -> vector<64x1xf32>
    %add3A_156 = vector.broadcast %transpose3A_155 : vector<64x1xf32> to vector<64x2048xf32>
    %add3A_157 = arith.addf %dot_general3A_154, %add3A_156 : vector<64x2048xf32>
    %swap3A_158 = arith.constant 4 : index
    %swap3A_159 = arith.constant 0 : index
    %swap3A_160 = arith.constant 0 : index
    %swap3A_161 = vector.load %arg3[%swap3A_158, %swap3A_159, %swap3A_160] : memref<5x64x4096xf32, #tpu.memory_space<vmem>>, vector<1x64x2048xf32>
    %swap3A_162 = vector.shape_cast %swap3A_161 : vector<1x64x2048xf32> to vector<64x2048xf32>
    %swap3A_163 = vector.shape_cast %add3A_157 : vector<64x2048xf32> to vector<1x64x2048xf32>
    tpu.vector_store %arg3[%swap3A_158, %swap3A_159, %swap3A_160], %swap3A_163 {strides = array<i32>} : memref<5x64x4096xf32, #tpu.memory_space<vmem>>, vector<1x64x2048xf32>,
    %slice3A_164 = vector.extract_strided_slice %get3A_144 {offsets = [0, 64], sizes = [2048, 64], strides = [1, 1]} : vector<2048x128xf32> to vector<2048x64xf32>
    %dot_general3A_165 = arith.constant dense<0.000000e+00> : vector<64x2048xf32>
    %dot_general3A_166 = tpu.matmul %select_n3A, %slice3A_164, %dot_general3A_165 {dimension_numbers = #tpu.dot_dimension_numbers<[1], [1], [0], [0], [0, 0, 1, 0], [], []>, transpose_lhs_hint = false} : vector<64x64xf32>, vector<2048x64xf32>, vector<64x2048xf32> -> vector<64x2048xf32>
    %transpose3A_167 = tpu.transpose %get3A_151, [1, 0] : vector<1x64xf32> -> vector<64x1xf32>
    %add3A_168 = vector.broadcast %transpose3A_167 : vector<64x1xf32> to vector<64x2048xf32>
    %add3A_169 = arith.addf %dot_general3A_166, %add3A_168 : vector<64x2048xf32>
    %swap3A_170 = arith.constant 4 : index
    %swap3A_171 = arith.constant 0 : index
    %swap3A_172 = arith.constant 2048 : index
    %swap3A_173 = vector.load %arg3[%swap3A_170, %swap3A_171, %swap3A_172] : memref<5x64x4096xf32, #tpu.memory_space<vmem>>, vector<1x64x2048xf32>
    %swap3A_174 = vector.shape_cast %swap3A_173 : vector<1x64x2048xf32> to vector<64x2048xf32>
    %swap3A_175 = vector.shape_cast %add3A_169 : vector<64x2048xf32> to vector<1x64x2048xf32>
    tpu.vector_store %arg3[%swap3A_170, %swap3A_171, %swap3A_172], %swap3A_175 {strides = array<i32>} : memref<5x64x4096xf32, #tpu.memory_space<vmem>>, vector<1x64x2048xf32>,
    return
  }
  func.func @transform_0(%arg0: i32) -> (i32, i32, i32) {
    %c0_i32 = arith.constant 0 : i32
    %c0_i32_0 = arith.constant 0 : i32
    %c0_i32_1 = arith.constant 0 : i32
    return %arg0, %c0_i32, %c0_i32_0 : i32, i32, i32
  }
  func.func @transform_1(%arg0: i32) -> (i32, i32) {
    %c0_i32 = arith.constant 0 : i32
    %c0_i32_0 = arith.constant 0 : i32
    %c0_i32_1 = arith.constant 0 : i32
    return %c0_i32, %c0_i32_0 : i32, i32
  }
  func.func @transform_2(%arg0: i32) -> (i32, i32, i32) {
    %c0_i32 = arith.constant 0 : i32
    %c0_i32_0 = arith.constant 0 : i32
    %c0_i32_1 = arith.constant 0 : i32
    return %arg0, %c0_i32, %c0_i32_0 : i32, i32, i32
  }
}

</mosaic_0001>

<sc_bundles>
// kernel: kernel.4.cloned.1.call-start
scs
__scs_entry_jumppad:
0x0: {  	(pc) =	sbr.rel $0x88, $3  }
0x1: {  	(tag) =	ssettag $0x0;
	lr =	simm.s32 $0x1  }
0x2: {  	[smem:$0x3F9E] =	sst lr;
	_ =	strace $0xD0000000  }
0x3: {  	_ = 	snop  }
0x4: {  	_ = 	snop  }
0x5: {  	_ = 	snop  }
0x6: {  	_ = 	snop  }
0x7: {  	_ = 	snop  }
__scs_overlays_trampoline_lowered:
0x8: {  	[smem:$0x3FAD] =	sst s0  }
0x9: {  	[smem:$0x3FAE] =	sst s1  }
0xa: {  	[smem:$0x3FAF] =	sst s2  }
0xb: {  	[smem:$0x3FB0] =	sst s3  }
0xc: {  	[smem:$0x3FB1] =	sst s4  }
0xd: {  	[smem:$0x3FB2] =	sst s5  }
0xe: {  	[smem:$0x3FB3] =	sst s6  }
0xf: {  	[smem:$0x3FB4] =	sst s7  }
0x10: {  	[smem:$0x3FB5] =	sst s8  }
0x11: {  	[smem:$0x3FB6] =	sst s9;
	s0 =	simm.s32 @!p0 $0x0  }
0x12: {  	s1 =	sld [smem:$0x3F9C];
	s0 =	simm.s32 @p0 $0x1  }
0x13: {  	[smem:$0x3FB7] =	sst s0;
	s0 =	simm.s32 @!p1 $0x0  }
0x14: {  	s2 =	sld [smem:$0x3F9B];
	s0 =	simm.s32 @p1 $0x1  }
0x15: {  	[smem:$0x3FB8] =	sst s0;
	s0 =	simm.s32 @!p2 $0x0  }
0x16: {  	s3 =	sld [smem:$0x3FDB];
	s0 =	simm.s32 @p2 $0x1  }
0x17: {  	s4 =	simm.s32 $0x1BF5;
	[smem:$0x3FBA] =	sst s0  }
0x18: {  	s0 =	sld [smem:$0x3F9D];
	_ =	swait.ge [sflag:s4], $0x0  }
0x19: {  	s7 =	sld [smem:$0x3F9E]  }
0x1a: {  	s8 =	sadd.s32 $0xFFFFE003, lr  }
0x1b: {  	s9 =	sadd.s32 $0xFFFFFEF7, lr;
	s5 =	simm.s32 $0xFFFFFFFF;
	p2 =	slt.u32 s8, $0xFFFFF086  }
0x1c: {  	p1 =	slt.u32 s9, $0xF7A;
	s5 =	simm.s32 @!p2 $0x0  }
0x1d: {  	s5 =	simm.s32 @p1 $0x1;
	p0 =	seq.s32 s7, s2  }
0x1e: {  	s7 =	smul.u32 @!p0 $0xF7A, s2;
	p2 =	seq.s32 @!p0 s5, $0x0  }
0x1f: {  	s9 =	smul.u32 $0xF7A, s1;
	s8 =	simm.s32 @!p0 $0x1BF5;
	p2 =	por !p2, p0  }
0x20: {  	[sflag:s8] =	ssyncset.s32 @!p0 $0xFFFFF086;
	s6 =	sadd.s32 @!p0 s3, s7;
	s7 =	simm.s32 @!p0 $0x108  }
0x21: {  	s3 =	sadd.s32 s3, s9;
	s6 =	sadd.s32 @!p0 $0x88, s6;
	s7 =	simm.s32 @p2 $0x1082  }
0x22: {  	[simem:s7], [sflag:s8] =	dma.local @!p0 [hbm:s6], $0xF7A  }
0x23: {  	s9 =	sor.u32 $0xD0000000, s2;
	s6 =	simm.s32 $0x108;
	_ =	swait.ge @!p0 [sflag:s8], $0x0  }
0x24: {  	s3 =	sadd.s32 $0x88, s3;
	s6 =	simm.s32 @!p1 $0x1082;
	[sflag:s4] =	ssyncset.s32 $0xFFFFF086  }
0x25: {  	[simem:s6], [sflag:s4] =	dma.local [hbm:s3], $0xF7A  }
0x26: {  	[smem:$0x3F9E] =	sst s1;
	(tag) =	ssettag s2;
	_ =	strace s9  }
0x27: {  	s1 =	sld [smem:$0x3FAE]  }
0x28: {  	s2 =	sld [smem:$0x3FAF]  }
0x29: {  	s4 =	sld [smem:$0x3FB1]  }
0x2a: {  	p0 =	seq.s32 s5, $0x0;
	s5 =	sld [smem:$0x3FB2]  }
0x2b: {  	s6 =	sld [smem:$0x3FB3]  }
0x2c: {  	s7 =	sld [smem:$0x3FB4]  }
0x2d: {  	s3 =	simm.s32 $0x108;
	s8 =	sld [smem:$0x3FB5]  }
0x2e: {  	s3 =	simm.s32 @!p0 $0x1082;
	s9 =	sld [smem:$0x3FB6]  }
0x2f: {  	lr =	sadd.s32 s0, s3;
	s0 =	sld [smem:$0x3FAD]  }
0x30: {  	s3 =	sld [smem:$0x3FB0]  }
0x31: {  	[smem:$0x3FB9] =	sst s10  }
0x32: {  	s10 =	sld [smem:$0x3FB7];
	_ =	sdelay $0x3  }
0x33: {  	p0 =	seq.s32 s10, $0x1;
	s10 =	sld [smem:$0x3FB9];
	_ =	sdelay $0x3  }
0x34: {  	[smem:$0x3FB9] =	sst s10  }
0x35: {  	s10 =	sld [smem:$0x3FB8];
	_ =	sdelay $0x3  }
0x36: {  	p1 =	seq.s32 s10, $0x1;
	s10 =	sld [smem:$0x3FB9];
	_ =	sdelay $0x3  }
0x37: {  	[smem:$0x3FB9] =	sst s10  }
0x38: {  	s10 =	sld [smem:$0x3FBA]  }
0x39: {  	_ = 	snop;
	(pc) =	sbr.ind lr, $3  }
0x3a: {  	_ = 	snop  }
0x3b: {  	_ = 	snop  }
0x3c: {  	p2 =	seq.s32 s10, $0x1;
	s10 =	sld [smem:$0x3FB9]  }
0x3d: {  	_ =	shalt  }
0x3e: {  	_ =	shalt  }
0x3f: {  	_ =	shalt  }
0x40: {  	_ =	shalt  }
0x41: {  	_ =	shalt  }
0x42: {  	_ =	shalt  }
0x43: {  	_ =	shalt  }
0x44: {  	_ =	shalt  }
0x45: {  	_ =	shalt  }
0x46: {  	_ =	shalt  }
0x47: {  	_ =	shalt  }
0x48: {  	_ =	shalt  }
0x49: {  	_ =	shalt  }
0x4a: {  	_ =	shalt  }
0x4b: {  	_ =	shalt  }
0x4c: {  	_ =	shalt  }
0x4d: {  	_ =	shalt  }
0x4e: {  	_ =	shalt  }
0x4f: {  	_ =	shalt  }
0x50: {  	_ =	shalt  }
0x51: {  	_ =	shalt  }
0x52: {  	_ =	shalt  }
0x53: {  	_ =	shalt  }
0x54: {  	_ =	shalt  }
0x55: {  	_ =	shalt  }
0x56: {  	_ =	shalt  }
0x57: {  	_ =	shalt  }
0x58: {  	_ =	shalt  }
0x59: {  	_ =	shalt  }
0x5a: {  	_ =	shalt  }
0x5b: {  	_ =	shalt  }
0x5c: {  	_ =	shalt  }
0x5d: {  	_ =	shalt  }
0x5e: {  	_ =	shalt  }
0x5f: {  	_ =	shalt  }
0x60: {  	_ =	shalt  }
0x61: {  	_ =	shalt  }
0x62: {  	_ =	shalt  }
0x63: {  	_ =	shalt  }
0x64: {  	_ =	shalt  }
0x65: {  	_ =	shalt  }
0x66: {  	_ =	shalt  }
0x67: {  	_ =	shalt  }
0x68: {  	_ =	shalt  }
0x69: {  	_ =	shalt  }
0x6a: {  	_ =	shalt  }
0x6b: {  	_ =	shalt  }
0x6c: {  	_ =	shalt  }
0x6d: {  	_ =	shalt  }
0x6e: {  	_ =	shalt  }
0x6f: {  	_ =	shalt  }
0x70: {  	_ =	shalt  }
0x71: {  	_ =	shalt  }
0x72: {  	_ =	shalt  }
0x73: {  	_ =	shalt  }
0x74: {  	_ =	shalt  }
0x75: {  	_ =	shalt  }
0x76: {  	_ =	shalt  }
0x77: {  	_ =	shalt  }
0x78: {  	_ =	shalt  }
0x79: {  	_ =	shalt  }
0x7a: {  	_ =	shalt  }
0x7b: {  	_ =	shalt  }
0x7c: {  	_ =	shalt  }
0x7d: {  	_ =	shalt  }
0x7e: {  	_ =	shalt  }
0x7f: {  	_ =	shalt  }
0x80: {  	_ =	shalt  }
0x81: {  	_ =	shalt  }
0x82: {  	_ =	shalt  }
0x83: {  	_ =	shalt  }
0x84: {  	_ =	shalt  }
0x85: {  	_ =	shalt  }
0x86: {  	_ =	shalt  }
0x87: {  	_ =	shalt  }
.Lfunc_end0:
.L_simem_size_0:
called_computation_lowered:
.L_overlay_start_0:
0x88: {  	s2 =	sld [smem:$0x3FD9]  }
0x89: {  	s3 =	sld [smem:$0x3FFE];
	_ =	sdelay $0x1  }
0x8a: {  	s1 =	srdreg.scid  }
0x8b: {  	s0 =	sand.u32 $0x1, s1  }
0x8c: {  	s16 =	sshll.u32 s0, $0xA;
	s2 =	sadd.s32 s3, s2  }
0x8d: {  	s2 =	sadd.s32 s2, s16  }
0x8e: {  	[smem:$0x3FC5] =	sst s2  }
0x8f: {  	_ = 	snop  }
0x90: {  	(tm) =	ssettm $0x1  }
0x91: {  	s17 =	sld [smem:$0x3FFB];
	_ =	sdelay $0x3  }
0x92: {  	_ =	strace s17  }
0x93: {  	s2 =	sld [smem:$0x3FFC];
	_ =	sdelay $0x3  }
0x94: {  	_ =	strace s2  }
0x95: {  	s2 =	sld [smem:$0x3FFD];
	_ =	sdelay $0x3  }
0x96: {  	_ =	strace s2  }
0x97: {  	_ =	strace $0x8FFFFFFF  }
0x98: {  	s18 =	sld [smem:$0x3FDB];
	_ =	sdelay $0x1  }
0x99: {  	s19 =	simm.s32 $_scs_section_size  }
0x9a: {  	s4 =	simm.s32 $_size__tile_overlayer_lowered;
	s5 =	simm.s32 $_tile_overlayer_lowered  }
0x9b: {  	s22 =	simm.s32 $0x1BFF;
	s21 =	sshll.u32 s5, $0x1;
	s2 =	sadd.s32 s19, s18  }
0x9c: {  	s6 =	simm.s32 $0x0;
	s20 =	sshll.u32 s4, $0x1;
	s4 =	sadd.s32 s21, s2  }
0x9d: {  	[timem:s6], [sflag:s22] =	dma.local [hbm:s4], s20  }
0x9e: {  	_ =	swait.ge [sflag:s22], s20  }
0x9f: {  	s3 =	ssub.s32 $0x0, s20;
	[sflag:s22] =	ssyncset.done $0x0  }
0xa0: {  	[sflag:s22] =	ssyncadd.s32 s3;
	_ =	sdelay $0x1  }
0xa1: {  	s23 =	simm.s32 $0x1B8B  }
0xa2: {  	_ =	swait.ge [sflag:s23], $0x1  }
0xa3: {  	[sflag:s23] =	ssyncset.done $0x0  }
0xa4: {  	s25 =	simm.s32 $0x1B8E;
	s24 =	sld [smem:$0x3FFE];
	[sflag:s23] =	ssyncadd.s32 $0xFFFFFFFF  }
0xa5: {  	s26 =	simm.s32 $execute0_lowered;
	[smem:$0x3FD2] =	sst s25  }
0xa6: {  	s4 =	sshll.u32 s26, $0x1;
	_ =	strace $0x80000046;
	[dreg:$0x1] =	wrdreg $0xFFFFFFFF  }
0xa7: {  	s28 =	simm.s32 $_size_execute0_lowered;
	s2 =	sadd.s32 s2, s4;
	[dreg:$0x0] =	wrdreg $0x0  }
0xa8: {  	s4 =	sshll.u32 s28, $0x1;
	[dreg:$0x2] =	wrdreg s2  }
0xa9: {  	[dreg:$0x3] =	wrdreg s4  }
0xaa: {  	[dreg:$0x4] =	wrdreg $0xC0  }
0xab: {  	_ =	task [dreg:s6], $0x5FFFF  }
0xac: {  	[dreg:$0x1] =	wrdreg $0xFFFFFFFF  }
0xad: {  	[dreg:$0x0] =	wrdreg $0x60  }
0xae: {  	[dreg:$0x2] =	wrdreg s24  }
0xaf: {  	[dreg:$0x3] =	wrdreg $0x9  }
0xb0: {  	_ =	task.clear_ibuf [dreg:s6], $0x4FFFF;
	_ =	strace $0x90000046  }
0xb1: {  	s29 =	simm.s32 $0x9;
	_ =	strace $0x80000048  }
0xb2: {  	_ =	swait.ge [sflag:s29], $0x1  }
0xb3: {  	[sflag:s29] =	ssyncadd.s32 $0xFFFFFFFF  }
0xb4: {  	_ =	strace $0x90000048  }
0xb5: {  	_ =	sfence  }
0xb6: {  	s30 =	sld [smem:$0x0];
	_ =	sdelay $0x2  }
0xb7: {  	s31 =	sshll.u32 s1, $0xD;
	s1 =	sshrl.u32 s1, $0x2  }
0xb8: {  	s3 =	sand.u32 $0x4000, s31;
	s1 =	sadd.s32 s1, s30  }
0xb9: {  	s0 =	sor.u32 s3, s0;
	s1 =	sshll.u32 s1, $0x11  }
0xba: {  	s0 =	sor.u32 s1, s0  }
0xbb: {  	s0 =	sadd.s32 $0x8F2B, s0  }
0xbc: {  	[sflag:s0] =	ssyncadd.remote.s32 $0x1  }
0xbd: {  	_ =	sfence.sel $0xFFFF  }
0xbe: {  	[dreg:$0x0] =	wrdreg $0xFFFFFFFF;
	(pc) =	sbr.abs _section_cstart, $3  }
0xbf: {  	[dreg:$0x1] =	wrdreg $0xFFFFFFFF  }
0xc0: {  	_ =	task.clear_ibuf [dreg:s6], $0x2FFFF;
	_ =	strace $0x9FFFFFFF  }
0xc1: {  	(tm) =	ssettm $0x7FFFFFFF  }
tec
execute0_lowered:
.L_overlay_start_1:
0x0: {  	(tag) =	ssettag $0x1  }
0x1: {  	s0 =	srdreg.scid  }
0x2: {  	s5 =	stileid.u32;
	s1 =	rddreg [dreg:$0x0];
	s4 =	simm.s32 $0x0  }
0x3: {  	s8 =	simm.s32 $0x40;
	s28 =	simm.s32 $0xF400;
	s17 =	simm.s32 $0x80  }
0x4: {  	s30 =	simm.s32 $0x8400;
	s31 =	simm.s32 $0x1;
	s15 =	simm.s32 $0x15400  }
0x5: {  	s13 =	simm.s32 $0x0;
	s9 =	simm.s32 $0x5;
	s11 =	simm.s32 $0x9  }
0x6: {  	s6 =	simm.s32 $0xA;
	s7 =	simm.s32 $0x7;
	s10 =	simm.s32 $0xB  }
0x7: {  	s0 =	sand.u32 $0x1, s0;
	s2 =	sshll.u32 s5, $0x7;
	[smem:$0x7FF] =	sst s4  }
0x8: {  	s5 =	sshll.u32 s5, $0xE;
	s4 =	simm.s32 $0x8;
	s3 =	sshll.u32 s0, $0x6  }
0x9: {  	_ =	strace $0x80000047;
	s19 =	ssub.s32 $0x2, s0;
	s0 =	sshll.u32 s0, $0xD  }
0xa: {  	s2 =	sor.u32 s3, s2;
	s3 =	sadd.s32 $0x19600, s1;
	s0 =	sor.u32 s0, s5  }
0xb: {  	s20 =	sshrl.u32 s19, $0x1;
	s2 =	sshrl.u32 s2, $0x3;
	s21 =	sshrl.u32 s0, $0x3  }
0xc: {  	s5 =	sor.u32 $0x1C0000, s0;
	s23 =	sor.u32 $0x180000, s0;
	s25 =	sor.u32 $0x140000, s0  }
0xd: {  	s2 =	sadd.s32 s2, s1;
	s1 =	sadd.s32 $0xDCC00, s1;
	[dreg:$0x2] =	wrdreg s21  }
0xe: {  	s0 =	sor.u32 $0x100000, s0;
	s22 =	sshrl.u32 s5, $0x3;
	[dreg:$0x7] =	wrdreg s1  }
0xf: {  	s24 =	sshrl.u32 s23, $0x3;
	s26 =	sshrl.u32 s25, $0x3;
	[dreg:$0x3] =	wrdreg s22  }
0x10: {  	s0 =	sshrl.u32 s0, $0x3;
	s5 =	simm.s32 $0x6;
	[dreg:$0x4] =	wrdreg s24  }
0x11: {  	s1 =	ssub.s32 s19, s20;
	s29 =	sadd.s32 $0x600, s2;
	[dreg:$0x5] =	wrdreg s26  }
0x12: {  	s2 =	sadd.s32 $0x700, s2;
	[dreg:$0x6] =	wrdreg s0;
	s22 =	simm.s32 $0x6400  }
0x13: {  	s24 =	simm.s32 $0xE400;
	s26 =	simm.s32 $0x7400;
	[dreg:$0x8] =	wrdreg s29  }
0x14: {  	s20 =	simm.s32 $0x10400;
	[dreg:$0x9] =	wrdreg s2;
	s1 =	smax.u32 s1, $0x1  }
0x15: {  	s0 =	simm.s32 $0x2;
	s19 =	simm.s32 $0x3;
	[dreg:$0xa] =	wrdreg s1  }
.LBB2_1:
0x16: {  	[dreg:$0xb] =	wrdreg s13;
	s12 =	simm.s32 $0x0  }
0x17: {  	s1 =	rddreg [dreg:$0x8];
	s14 =	simm.s32 $0x1000;
	s16 =	simm.s32 $0x11  }
0x18: {  	[tilespmem:s12], [sflag:$0x11] =	stream.strided.gather [hbm4b:s1+s8], $0x3200, s14, s8, $0x38;
	[tilespmem:$0x16400] =	vst v63  }
0x19: {  	_ =	swait.ge [sflag:s16], $0x3200  }
0x1a: {  	[sflag:s16] =	ssyncset.done $0x0  }
0x1b: {  	s18 =	simm.s32 $0x3200;
	s2 =	rddreg [dreg:$0x9];
	[sflag:s16] =	ssyncadd.s32 $0xFFFFCE00  }
0x1c: {  	[tilespmem:s18], [sflag:$0x11] =	stream.strided.gather [hbm4b:s2+s8], $0x3200, s14, s8, $0x38;
	[tilespmem:$0x16400] =	vst v63  }
0x1d: {  	_ =	swait.ge [sflag:s16], $0x3200  }
0x1e: {  	[sflag:s16] =	ssyncset.done $0x0  }
0x1f: {  	[sflag:s16] =	ssyncadd.s32 $0xFFFFCE00  }
0x20: {  	[tilespmem:s22], [sflag:$0x1] =	stream.indirect.gather [hbm4b:s3+s8], $0x40, s12, s8, $0xb8;
	[tilespmem:$0x16400] =	vst v63  }
0x21: {  	_ = 	snop  }
0x22: {  	[tilespmem:s24], [sflag:$0x1] =	stream.indirect.gather [hbm4b:s3+s8], $0x40, s18, s8, $0xb8;
	[tilespmem:$0x16400] =	vst v63  }
0x23: {  	_ = 	snop  }
0x24: {  	[tilespmem:s26], [sflag:$0x2] =	stream.indirect.gather [hbm4b:s3+s8], $0x40, s8, s8, $0xb8;
	[tilespmem:$0x16400] =	vst v63  }
0x25: {  	s14 =	simm.s32 $0x3240  }
0x26: {  	[tilespmem:s28], [sflag:$0x2] =	stream.indirect.gather [hbm4b:s3+s8], $0x40, s14, s8, $0xb8;
	[tilespmem:$0x16400] =	vst v63  }
0x27: {  	_ = 	snop  }
0x28: {  	[tilespmem:s30], [sflag:$0x3] =	stream.indirect.gather [hbm4b:s3+s8], $0x40, s17, s8, $0xb8;
	[tilespmem:$0x16400] =	vst v63  }
0x29: {  	s16 =	simm.s32 $0x3280  }
0x2a: {  	[tilespmem:s20], [sflag:$0x3] =	stream.indirect.gather [hbm4b:s3+s8], $0x40, s16, s8, $0xb8;
	[tilespmem:$0x16400] =	vst v63  }
0x2b: {  	s18 =	simm.s32 $0xC0;
	s14 =	simm.s32 $0x9400  }
0x2c: {  	[tilespmem:s14], [sflag:$0x4] =	stream.indirect.gather [hbm4b:s3+s8], $0x40, s18, s8, $0xb8;
	[tilespmem:$0x16400] =	vst v63  }
0x2d: {  	s21 =	simm.s32 $0x32C0;
	s16 =	simm.s32 $0x11400  }
0x2e: {  	[tilespmem:s16], [sflag:$0x4] =	stream.indirect.gather [hbm4b:s3+s8], $0x40, s21, s8, $0xb8;
	[tilespmem:$0x16400] =	vst v63  }
0x2f: {  	_ =	swait.ge [sflag:s31], $0x1000  }
0x30: {  	[sflag:s31] =	ssyncset.done $0x0  }
0x31: {  	[sflag:s31] =	ssyncadd.s32 $0xFFFFF000  }
0x32: {  	_ =	swait.ge [sflag:s31], $0x1000  }
0x33: {  	p0 =	por $0x1, $0x1;
	[sflag:s31] =	ssyncset.done $0x0  }
0x34: {  	s12 =	simm.s32 @!p0 $0xD;
	[sflag:s31] =	ssyncadd.s32 $0xFFFFF000  }
0x35: {  	_ =	swait.ge @!p0 [sflag:s12], $0x1000  }
0x36: {  	[sflag:s12] =	ssyncset.done @!p0 $0x0  }
0x37: {  	[sflag:s12] =	ssyncadd.s32 @!p0 $0xFFFFF000  }
0x38: {  	_ =	swait.ge @!p0 [sflag:s12], $0x1000  }
0x39: {  	s23 =	simm.s32 $0x100;
	[sflag:s12] =	ssyncset.done @!p0 $0x0  }
0x3a: {  	s21 =	simm.s32 $0xA400;
	s25 =	rddreg [dreg:$0x2];
	[sflag:s12] =	ssyncadd.s32 @!p0 $0xFFFFF000  }
0x3b: {  	[tilespmem:s21], [sflag:$0x5] =	stream.indirect.gather [hbm4b:s3+s8], $0x40, s23, s8, $0xb8;
	[tilespmem:$0x16400] =	vst v63  }
0x3c: {  	s29 =	simm.s32 $0x3300;
	s18 =	rddreg [dreg:$0x7];
	s23 =	simm.s32 $0x12400  }
0x3d: {  	[tilespmem:s23], [sflag:$0x5] =	stream.indirect.gather [hbm4b:s3+s8], $0x40, s29, s8, $0xb8;
	[tilespmem:$0x16400] =	vst v63  }
0x3e: {  	s12 =	sadd.s32 s18, s25  }
0x3f: {  	[hbm4b:s12+s8] =	stream.strided.scatter [tilespmem:s22], [sflag:$0x9], $0x1000, s17, s8, $0x38;
	[tilespmem:$0x16400] =	vst v63  }
0x40: {  	s13 =	sadd.s32 $0x8, s12  }
0x41: {  	[hbm4b:s13+s8] =	stream.strided.scatter [tilespmem:s24], [sflag:$0x9], $0x1000, s17, s8, $0x38;
	[tilespmem:$0x16400] =	vst v63  }
0x42: {  	_ =	swait.ge [sflag:s0], $0x1000  }
0x43: {  	[sflag:s0] =	ssyncset.done $0x0  }
0x44: {  	[sflag:s0] =	ssyncadd.s32 $0xFFFFF000  }
0x45: {  	_ =	swait.ge [sflag:s0], $0x1000  }
0x46: {  	[sflag:s0] =	ssyncset.done $0x0  }
0x47: {  	s13 =	simm.s32 @!p0 $0xE;
	[sflag:s0] =	ssyncadd.s32 $0xFFFFF000  }
0x48: {  	_ =	swait.ge @!p0 [sflag:s13], $0x1000  }
0x49: {  	[sflag:s13] =	ssyncset.done @!p0 $0x0  }
0x4a: {  	[sflag:s13] =	ssyncadd.s32 @!p0 $0xFFFFF000  }
0x4b: {  	_ =	swait.ge @!p0 [sflag:s13], $0x1000  }
0x4c: {  	[sflag:s13] =	ssyncset.done @!p0 $0x0  }
0x4d: {  	s1 =	simm.s32 $0x140;
	s0 =	simm.s32 $0xB400;
	[sflag:s13] =	ssyncadd.s32 @!p0 $0xFFFFF000  }
0x4e: {  	[tilespmem:s0], [sflag:$0x6] =	stream.indirect.gather [hbm4b:s3+s8], $0x40, s1, s8, $0xb8;
	[tilespmem:$0x16400] =	vst v63  }
0x4f: {  	s2 =	simm.s32 $0x3340;
	s25 =	simm.s32 $0x13400  }
0x50: {  	[tilespmem:s25], [sflag:$0x6] =	stream.indirect.gather [hbm4b:s3+s8], $0x40, s2, s8, $0xb8;
	[tilespmem:$0x16400] =	vst v63  }
0x51: {  	s29 =	sadd.s32 $0x8000, s12  }
0x52: {  	[hbm4b:s29+s8] =	stream.strided.scatter [tilespmem:s26], [sflag:$0xA], $0x1000, s17, s8, $0x38;
	[tilespmem:$0x16400] =	vst v63  }
0x53: {  	s1 =	sadd.s32 $0x8008, s12  }
0x54: {  	[hbm4b:s1+s8] =	stream.strided.scatter [tilespmem:s28], [sflag:$0xA], $0x1000, s17, s8, $0x38;
	[tilespmem:$0x16400] =	vst v63  }
0x55: {  	_ =	swait.ge [sflag:s19], $0x1000  }
0x56: {  	[sflag:s19] =	ssyncset.done $0x0  }
0x57: {  	[sflag:s19] =	ssyncadd.s32 $0xFFFFF000  }
0x58: {  	_ =	swait.ge [sflag:s19], $0x1000  }
0x59: {  	[sflag:s19] =	ssyncset.done $0x0  }
0x5a: {  	s13 =	simm.s32 @!p0 $0xF;
	[sflag:s19] =	ssyncadd.s32 $0xFFFFF000  }
0x5b: {  	_ =	swait.ge @!p0 [sflag:s13], $0x1000  }
0x5c: {  	[sflag:s13] =	ssyncset.done @!p0 $0x0  }
0x5d: {  	[sflag:s13] =	ssyncadd.s32 @!p0 $0xFFFFF000  }
0x5e: {  	_ =	swait.ge @!p0 [sflag:s13], $0x1000  }
0x5f: {  	[sflag:s13] =	ssyncset.done @!p0 $0x0  }
0x60: {  	s2 =	simm.s32 $0x180;
	s29 =	simm.s32 $0xC400;
	[sflag:s13] =	ssyncadd.s32 @!p0 $0xFFFFF000  }
0x61: {  	[tilespmem:s29], [sflag:$0x7] =	stream.indirect.gather [hbm4b:s3+s8], $0x40, s2, s8, $0xb8;
	[tilespmem:$0x16400] =	vst v63  }
0x62: {  	s1 =	simm.s32 $0x14400;
	s19 =	simm.s32 $0x3380  }
0x63: {  	[tilespmem:s1], [sflag:$0x7] =	stream.indirect.gather [hbm4b:s3+s8], $0x40, s19, s8, $0xb8;
	[tilespmem:$0x16400] =	vst v63  }
0x64: {  	s2 =	sadd.s32 $0x10000, s12  }
0x65: {  	[hbm4b:s2+s8] =	stream.strided.scatter [tilespmem:s30], [sflag:$0xB], $0x1000, s17, s8, $0x38;
	[tilespmem:$0x16400] =	vst v63  }
0x66: {  	s19 =	sadd.s32 $0x10008, s12;
	s2 =	simm.s32 $0x4  }
0x67: {  	[hbm4b:s19+s8] =	stream.strided.scatter [tilespmem:s20], [sflag:$0xB], $0x1000, s17, s8, $0x38;
	[tilespmem:$0x16400] =	vst v63  }
0x68: {  	_ =	swait.ge [sflag:s2], $0x1000  }
0x69: {  	[sflag:s2] =	ssyncset.done $0x0  }
0x6a: {  	[sflag:s2] =	ssyncadd.s32 $0xFFFFF000  }
0x6b: {  	_ =	swait.ge [sflag:s2], $0x1000  }
0x6c: {  	[sflag:s2] =	ssyncset.done $0x0  }
0x6d: {  	s13 =	simm.s32 @!p0 $0x10;
	[sflag:s2] =	ssyncadd.s32 $0xFFFFF000  }
0x6e: {  	_ =	swait.ge @!p0 [sflag:s13], $0x1000  }
0x6f: {  	[sflag:s13] =	ssyncset.done @!p0 $0x0  }
0x70: {  	[sflag:s13] =	ssyncadd.s32 @!p0 $0xFFFFF000  }
0x71: {  	_ =	swait.ge @!p0 [sflag:s13], $0x1000  }
0x72: {  	[sflag:s13] =	ssyncset.done @!p0 $0x0  }
0x73: {  	s20 =	simm.s32 $0x1C0;
	s2 =	simm.s32 $0xD400;
	[sflag:s13] =	ssyncadd.s32 @!p0 $0xFFFFF000  }
0x74: {  	[tilespmem:s2], [sflag:$0x8] =	stream.indirect.gather [hbm4b:s3+s8], $0x40, s20, s8, $0xb8;
	[tilespmem:$0x16400] =	vst v63  }
0x75: {  	s19 =	simm.s32 $0x33C0  }
0x76: {  	[tilespmem:s15], [sflag:$0x8] =	stream.indirect.gather [hbm4b:s3+s8], $0x40, s19, s8, $0xb8;
	[tilespmem:$0x16400] =	vst v63  }
0x77: {  	s20 =	sadd.s32 $0x18000, s12  }
0x78: {  	[hbm4b:s20+s8] =	stream.strided.scatter [tilespmem:s14], [sflag:$0xC], $0x1000, s17, s8, $0x38;
	[tilespmem:$0x16400] =	vst v63  }
0x79: {  	s12 =	sadd.s32 $0x18008, s12  }
0x7a: {  	[hbm4b:s12+s8] =	stream.strided.scatter [tilespmem:s16], [sflag:$0xC], $0x1000, s17, s8, $0x38;
	[tilespmem:$0x16400] =	vst v63  }
0x7b: {  	_ =	swait.ge [sflag:s9], $0x1000  }
0x7c: {  	[sflag:s9] =	ssyncset.done $0x0  }
0x7d: {  	[sflag:s9] =	ssyncadd.s32 $0xFFFFF000  }
0x7e: {  	_ =	swait.ge [sflag:s9], $0x1000  }
0x7f: {  	[sflag:s9] =	ssyncset.done $0x0  }
0x80: {  	[sflag:s9] =	ssyncadd.s32 $0xFFFFF000  }
0x81: {  	_ =	swait.ge [sflag:s11], $0x1000  }
0x82: {  	[sflag:s11] =	ssyncset.done $0x0  }
0x83: {  	[sflag:s11] =	ssyncadd.s32 $0xFFFFF000  }
0x84: {  	p0 =	por $0x0, $0x0;
	_ =	swait.ge [sflag:s11], $0x1000  }
0x85: {  	s13 =	simm.s32 @!p0 $0x200;
	[sflag:s11] =	ssyncset.done $0x0  }
0x86: {  	s12 =	simm.s32 @!p0 $0x40;
	s16 =	simm.s32 @!p0 $0x6400;
	[sflag:s11] =	ssyncadd.s32 $0xFFFFF000  }
0x87: {  	[tilespmem:s16], [sflag:$0x1] =	stream.indirect.gather @!p0 [hbm4b:s3+s12], $0x40, s13, s12, $0xb8;
	[tilespmem:$0x16400] =	vst v63  }
0x88: {  	s15 =	rddreg [dreg:$0x6];
	s13 =	simm.s32 @!p0 $0x3400;
	s16 =	simm.s32 @!p0 $0xE400  }
0x89: {  	[tilespmem:s16], [sflag:$0x1] =	stream.indirect.gather @!p0 [hbm4b:s3+s12], $0x40, s13, s12, $0xb8;
	[tilespmem:$0x16400] =	vst v63  }
0x8a: {  	s16 =	sadd.s32 s18, s15  }
0x8b: {  	[hbm4b:s16+s8] =	stream.strided.scatter [tilespmem:s21], [sflag:$0xD], $0x1000, s17, s8, $0x38;
	[tilespmem:$0x16400] =	vst v63  }
0x8c: {  	s13 =	sadd.s32 $0x8, s16  }
0x8d: {  	[hbm4b:s13+s8] =	stream.strided.scatter [tilespmem:s23], [sflag:$0xD], $0x1000, s17, s8, $0x38;
	[tilespmem:$0x16400] =	vst v63  }
0x8e: {  	_ =	swait.ge [sflag:s5], $0x1000  }
0x8f: {  	[sflag:s5] =	ssyncset.done $0x0  }
0x90: {  	[sflag:s5] =	ssyncadd.s32 $0xFFFFF000  }
0x91: {  	_ =	swait.ge [sflag:s5], $0x1000  }
0x92: {  	[sflag:s5] =	ssyncset.done $0x0  }
0x93: {  	[sflag:s5] =	ssyncadd.s32 $0xFFFFF000  }
0x94: {  	_ =	swait.ge [sflag:s6], $0x1000  }
0x95: {  	[sflag:s6] =	ssyncset.done $0x0  }
0x96: {  	[sflag:s6] =	ssyncadd.s32 $0xFFFFF000  }
0x97: {  	_ =	swait.ge [sflag:s6], $0x1000  }
0x98: {  	[sflag:s6] =	ssyncset.done $0x0  }
0x99: {  	s14 =	simm.s32 @!p0 $0x7400;
	s13 =	simm.s32 @!p0 $0x240;
	[sflag:s6] =	ssyncadd.s32 $0xFFFFF000  }
0x9a: {  	[tilespmem:s14], [sflag:$0x2] =	stream.indirect.gather @!p0 [hbm4b:s3+s12], $0x40, s13, s12, $0xb8;
	[tilespmem:$0x16400] =	vst v63  }
0x9b: {  	s19 =	rddreg [dreg:$0x5];
	s13 =	simm.s32 @!p0 $0x3440;
	s14 =	simm.s32 @!p0 $0xF400  }
0x9c: {  	[tilespmem:s14], [sflag:$0x2] =	stream.indirect.gather @!p0 [hbm4b:s3+s12], $0x40, s13, s12, $0xb8;
	[tilespmem:$0x16400] =	vst v63  }
0x9d: {  	s20 =	sadd.s32 s18, s19  }
0x9e: {  	[hbm4b:s20+s8] =	stream.strided.scatter [tilespmem:s0], [sflag:$0xE], $0x1000, s17, s8, $0x38;
	[tilespmem:$0x16400] =	vst v63  }
0x9f: {  	s13 =	sadd.s32 $0x8, s20  }
0xa0: {  	[hbm4b:s13+s8] =	stream.strided.scatter [tilespmem:s25], [sflag:$0xE], $0x1000, s17, s8, $0x38;
	[tilespmem:$0x16400] =	vst v63  }
0xa1: {  	_ =	swait.ge [sflag:s7], $0x1000  }
0xa2: {  	[sflag:s7] =	ssyncset.done $0x0  }
0xa3: {  	[sflag:s7] =	ssyncadd.s32 $0xFFFFF000  }
0xa4: {  	_ =	swait.ge [sflag:s7], $0x1000  }
0xa5: {  	[sflag:s7] =	ssyncset.done $0x0  }
0xa6: {  	[sflag:s7] =	ssyncadd.s32 $0xFFFFF000  }
0xa7: {  	_ =	swait.ge [sflag:s10], $0x1000  }
0xa8: {  	[sflag:s10] =	ssyncset.done $0x0  }
0xa9: {  	[sflag:s10] =	ssyncadd.s32 $0xFFFFF000  }
0xaa: {  	_ =	swait.ge [sflag:s10], $0x1000  }
0xab: {  	[sflag:s10] =	ssyncset.done $0x0  }
0xac: {  	s14 =	simm.s32 @!p0 $0x8400;
	s13 =	simm.s32 @!p0 $0x280;
	[sflag:s10] =	ssyncadd.s32 $0xFFFFF000  }
0xad: {  	[tilespmem:s14], [sflag:$0x3] =	stream.indirect.gather @!p0 [hbm4b:s3+s12], $0x40, s13, s12, $0xb8;
	[tilespmem:$0x16400] =	vst v63  }
0xae: {  	s21 =	rddreg [dreg:$0x4];
	s13 =	simm.s32 @!p0 $0x3480;
	s14 =	simm.s32 @!p0 $0x10400  }
0xaf: {  	[tilespmem:s14], [sflag:$0x3] =	stream.indirect.gather @!p0 [hbm4b:s3+s12], $0x40, s13, s12, $0xb8;
	[tilespmem:$0x16400] =	vst v63  }
0xb0: {  	s23 =	sadd.s32 s18, s21  }
0xb1: {  	[hbm4b:s23+s8] =	stream.strided.scatter [tilespmem:s29], [sflag:$0xF], $0x1000, s17, s8, $0x38;
	[tilespmem:$0x16400] =	vst v63  }
0xb2: {  	s13 =	sadd.s32 $0x8, s23  }
0xb3: {  	[hbm4b:s13+s8] =	stream.strided.scatter [tilespmem:s1], [sflag:$0xF], $0x1000, s17, s8, $0x38;
	[tilespmem:$0x16400] =	vst v63  }
0xb4: {  	_ =	swait.ge [sflag:s4], $0x1000  }
0xb5: {  	[sflag:s4] =	ssyncset.done $0x0  }
0xb6: {  	[sflag:s4] =	ssyncadd.s32 $0xFFFFF000  }
0xb7: {  	_ =	swait.ge [sflag:s4], $0x1000  }
0xb8: {  	[sflag:s4] =	ssyncset.done $0x0  }
0xb9: {  	s1 =	simm.s32 $0xC;
	[sflag:s4] =	ssyncadd.s32 $0xFFFFF000  }
0xba: {  	_ =	swait.ge [sflag:s1], $0x1000  }
0xbb: {  	[sflag:s1] =	ssyncset.done $0x0  }
0xbc: {  	[sflag:s1] =	ssyncadd.s32 $0xFFFFF000  }
0xbd: {  	_ =	swait.ge [sflag:s1], $0x1000  }
0xbe: {  	s14 =	simm.s32 @!p0 $0x9400;
	[sflag:s1] =	ssyncset.done $0x0  }
0xbf: {  	s13 =	simm.s32 @!p0 $0x2C0;
	s25 =	rddreg [dreg:$0x3];
	[sflag:s1] =	ssyncadd.s32 $0xFFFFF000  }
0xc0: {  	[tilespmem:s14], [sflag:$0x4] =	stream.indirect.gather @!p0 [hbm4b:s3+s12], $0x40, s13, s12, $0xb8;
	[tilespmem:$0x16400] =	vst v63  }
0xc1: {  	s29 =	sadd.s32 s18, s25;
	s13 =	simm.s32 @!p0 $0x34C0;
	s14 =	simm.s32 @!p0 $0x11400  }
0xc2: {  	[tilespmem:s14], [sflag:$0x4] =	stream.indirect.gather @!p0 [hbm4b:s3+s12], $0x40, s13, s12, $0xb8;
	[tilespmem:$0x16400] =	vst v63  }
0xc3: {  	s16 =	sadd.s32 $0x8, s29;
	s12 =	simm.s32 $0x800;
	s13 =	smov.u32 s18  }
0xc4: {  	[hbm4b:s29+s8] =	stream.strided.scatter [tilespmem:s2], [sflag:$0x10], $0x1000, s17, s8, $0x38;
	[tilespmem:$0x16400] =	vst v63  }
.LBB2_2:
0xc5: {  	s21 =	simm.s32 $0x15400  }
0xc6: {  	[hbm4b:s16+s8] =	stream.strided.scatter [tilespmem:s21], [sflag:$0x10], $0x1000, s17, s8, $0x38;
	[tilespmem:$0x16400] =	vst v63  }
0xc7: {  	_ =	swait.ge [sflag:s31], $0x1000  }
0xc8: {  	[sflag:s31] =	ssyncset.done $0x0  }
0xc9: {  	[sflag:s31] =	ssyncadd.s32 $0xFFFFF000  }
0xca: {  	s14 =	smov.u32 s12;
	_ =	swait.ge [sflag:s31], $0x1000  }
0xcb: {  	p1 =	seq.s32 s14, $0x0;
	[sflag:s31] =	ssyncset.done $0x0  }
0xcc: {  	s18 =	simm.s32 @!p1 $0xD;
	[sflag:s31] =	ssyncadd.s32 $0xFFFFF000  }
0xcd: {  	_ =	swait.ge @!p1 [sflag:s18], $0x1000  }
0xce: {  	[sflag:s18] =	ssyncset.done @!p1 $0x0  }
0xcf: {  	[sflag:s18] =	ssyncadd.s32 @!p1 $0xFFFFF000  }
0xd0: {  	_ =	swait.ge @!p1 [sflag:s18], $0x1000  }
0xd1: {  	s13 =	sadd.s32 $0x40000, s13;
	s16 =	sshra.s32 s14, $0x2;
	[sflag:s18] =	ssyncset.done @!p1 $0x0  }
0xd2: {  	s23 =	simm.s32 $0xA400;
	s29 =	sadd.s32 $0x100, s16;
	[sflag:s18] =	ssyncadd.s32 @!p1 $0xFFFFF000  }
0xd3: {  	[tilespmem:s23], [sflag:$0x5] =	stream.indirect.gather [hbm4b:s3+s8], $0x40, s29, s8, $0xb8;
	[tilespmem:$0x16400] =	vst v63  }
0xd4: {  	s0 =	sadd.s32 $0x3300, s16;
	s31 =	simm.s32 $0x12400;
	s20 =	rddreg [dreg:$0x2]  }
0xd5: {  	[tilespmem:s31], [sflag:$0x5] =	stream.indirect.gather [hbm4b:s3+s8], $0x40, s0, s8, $0xb8;
	[tilespmem:$0x16400] =	vst v63  }
0xd6: {  	s18 =	sadd.s32 s13, s20  }
0xd7: {  	[hbm4b:s18+s8] =	stream.strided.scatter [tilespmem:s22], [sflag:$0x9], $0x1000, s17, s8, $0x38;
	[tilespmem:$0x16400] =	vst v63  }
0xd8: {  	s20 =	sadd.s32 $0x8, s18;
	s0 =	simm.s32 $0x2  }
0xd9: {  	[hbm4b:s20+s8] =	stream.strided.scatter [tilespmem:s24], [sflag:$0x9], $0x1000, s17, s8, $0x38;
	[tilespmem:$0x16400] =	vst v63  }
0xda: {  	_ =	swait.ge [sflag:s0], $0x1000  }
0xdb: {  	[sflag:s0] =	ssyncset.done $0x0  }
0xdc: {  	[sflag:s0] =	ssyncadd.s32 $0xFFFFF000  }
0xdd: {  	_ =	swait.ge [sflag:s0], $0x1000  }
0xde: {  	[sflag:s0] =	ssyncset.done $0x0  }
0xdf: {  	s20 =	simm.s32 @!p1 $0xE;
	[sflag:s0] =	ssyncadd.s32 $0xFFFFF000  }
0xe0: {  	_ =	swait.ge @!p1 [sflag:s20], $0x1000  }
0xe1: {  	[sflag:s20] =	ssyncset.done @!p1 $0x0  }
0xe2: {  	[sflag:s20] =	ssyncadd.s32 @!p1 $0xFFFFF000  }
0xe3: {  	_ =	swait.ge @!p1 [sflag:s20], $0x1000  }
0xe4: {  	[sflag:s20] =	ssyncset.done @!p1 $0x0  }
0xe5: {  	s2 =	sadd.s32 $0x140, s16;
	s0 =	simm.s32 $0xB400;
	[sflag:s20] =	ssyncadd.s32 @!p1 $0xFFFFF000  }
0xe6: {  	[tilespmem:s0], [sflag:$0x6] =	stream.indirect.gather [hbm4b:s3+s8], $0x40, s2, s8, $0xb8;
	[tilespmem:$0x16400] =	vst v63  }
0xe7: {  	s25 =	simm.s32 $0x13400;
	s15 =	sadd.s32 $0x3340, s16  }
0xe8: {  	[tilespmem:s25], [sflag:$0x6] =	stream.indirect.gather [hbm4b:s3+s8], $0x40, s15, s8, $0xb8;
	[tilespmem:$0x16400] =	vst v63  }
0xe9: {  	s19 =	sadd.s32 $0x8000, s18  }
0xea: {  	[hbm4b:s19+s8] =	stream.strided.scatter [tilespmem:s26], [sflag:$0xA], $0x1000, s17, s8, $0x38;
	[tilespmem:$0x16400] =	vst v63  }
0xeb: {  	s22 =	sadd.s32 $0x8008, s18;
	s15 =	simm.s32 $0x3  }
0xec: {  	[hbm4b:s22+s8] =	stream.strided.scatter [tilespmem:s28], [sflag:$0xA], $0x1000, s17, s8, $0x38;
	[tilespmem:$0x16400] =	vst v63  }
0xed: {  	_ =	swait.ge [sflag:s15], $0x1000  }
0xee: {  	[sflag:s15] =	ssyncset.done $0x0  }
0xef: {  	[sflag:s15] =	ssyncadd.s32 $0xFFFFF000  }
0xf0: {  	_ =	swait.ge [sflag:s15], $0x1000  }
0xf1: {  	[sflag:s15] =	ssyncset.done $0x0  }
0xf2: {  	s20 =	simm.s32 @!p1 $0xF;
	[sflag:s15] =	ssyncadd.s32 $0xFFFFF000  }
0xf3: {  	_ =	swait.ge @!p1 [sflag:s20], $0x1000  }
0xf4: {  	[sflag:s20] =	ssyncset.done @!p1 $0x0  }
0xf5: {  	[sflag:s20] =	ssyncadd.s32 @!p1 $0xFFFFF000  }
0xf6: {  	_ =	swait.ge @!p1 [sflag:s20], $0x1000  }
0xf7: {  	[sflag:s20] =	ssyncset.done @!p1 $0x0  }
0xf8: {  	s29 =	simm.s32 $0xC400;
	s24 =	sadd.s32 $0x180, s16;
	[sflag:s20] =	ssyncadd.s32 @!p1 $0xFFFFF000  }
0xf9: {  	[tilespmem:s29], [sflag:$0x7] =	stream.indirect.gather [hbm4b:s3+s8], $0x40, s24, s8, $0xb8;
	[tilespmem:$0x16400] =	vst v63  }
0xfa: {  	s26 =	sadd.s32 $0x3380, s16;
	s19 =	simm.s32 $0x14400  }
0xfb: {  	[tilespmem:s19], [sflag:$0x7] =	stream.indirect.gather [hbm4b:s3+s8], $0x40, s26, s8, $0xb8;
	[tilespmem:$0x16400] =	vst v63  }
0xfc: {  	s2 =	sadd.s32 $0x10000, s18  }
0xfd: {  	[hbm4b:s2+s8] =	stream.strided.scatter [tilespmem:s30], [sflag:$0xB], $0x1000, s17, s8, $0x38;
	[tilespmem:$0x16400] =	vst v63  }
0xfe: {  	s15 =	sadd.s32 $0x10008, s18;
	s20 =	simm.s32 $0x4;
	s2 =	simm.s32 $0x10400  }
0xff: {  	[hbm4b:s15+s8] =	stream.strided.scatter [tilespmem:s2], [sflag:$0xB], $0x1000, s17, s8, $0x38;
	[tilespmem:$0x16400] =	vst v63  }
0x100: {  	_ =	swait.ge [sflag:s20], $0x1000  }
0x101: {  	[sflag:s20] =	ssyncset.done $0x0  }
0x102: {  	[sflag:s20] =	ssyncadd.s32 $0xFFFFF000  }
0x103: {  	_ =	swait.ge [sflag:s20], $0x1000  }
0x104: {  	[sflag:s20] =	ssyncset.done $0x0  }
0x105: {  	[sflag:s20] =	ssyncadd.s32 $0xFFFFF000;
	s20 =	simm.s32 @!p1 $0x10  }
0x106: {  	_ =	swait.ge @!p1 [sflag:s20], $0x1000  }
0x107: {  	[sflag:s20] =	ssyncset.done @!p1 $0x0  }
0x108: {  	[sflag:s20] =	ssyncadd.s32 @!p1 $0xFFFFF000  }
0x109: {  	_ =	swait.ge @!p1 [sflag:s20], $0x1000  }
0x10a: {  	[sflag:s20] =	ssyncset.done @!p1 $0x0  }
0x10b: {  	s22 =	sadd.s32 $0x1C0, s16;
	s2 =	simm.s32 $0xD400;
	[sflag:s20] =	ssyncadd.s32 @!p1 $0xFFFFF000  }
0x10c: {  	[tilespmem:s2], [sflag:$0x8] =	stream.indirect.gather [hbm4b:s3+s8], $0x40, s22, s8, $0xb8;
	[tilespmem:$0x16400] =	vst v63  }
0x10d: {  	s16 =	sadd.s32 $0x33C0, s16  }
0x10e: {  	[tilespmem:s21], [sflag:$0x8] =	stream.indirect.gather [hbm4b:s3+s8], $0x40, s16, s8, $0xb8;
	[tilespmem:$0x16400] =	vst v63  }
0x10f: {  	s24 =	sadd.s32 $0x18000, s18;
	s26 =	simm.s32 $0x9400  }
0x110: {  	[hbm4b:s24+s8] =	stream.strided.scatter [tilespmem:s26], [sflag:$0xC], $0x1000, s17, s8, $0x38;
	[tilespmem:$0x16400] =	vst v63  }
0x111: {  	s18 =	sadd.s32 $0x18008, s18;
	s20 =	simm.s32 $0x11400  }
0x112: {  	[hbm4b:s18+s8] =	stream.strided.scatter [tilespmem:s20], [sflag:$0xC], $0x1000, s17, s8, $0x38;
	[tilespmem:$0x16400] =	vst v63  }
0x113: {  	_ =	swait.ge [sflag:s9], $0x1000  }
0x114: {  	[sflag:s9] =	ssyncset.done $0x0  }
0x115: {  	[sflag:s9] =	ssyncadd.s32 $0xFFFFF000  }
0x116: {  	_ =	swait.ge [sflag:s9], $0x1000  }
0x117: {  	[sflag:s9] =	ssyncset.done $0x0  }
0x118: {  	[sflag:s9] =	ssyncadd.s32 $0xFFFFF000  }
0x119: {  	_ =	swait.ge [sflag:s11], $0x1000  }
0x11a: {  	[sflag:s11] =	ssyncset.done $0x0  }
0x11b: {  	[sflag:s11] =	ssyncadd.s32 $0xFFFFF000  }
0x11c: {  	p1 =	seq.s32 s14, $0xC000;
	_ =	swait.ge [sflag:s11], $0x1000  }
0x11d: {  	s22 =	simm.s32 @!p1 $0x6400;
	s16 =	sshra.s32 @!p1 s14, $0x2;
	[sflag:s11] =	ssyncset.done $0x0  }
0x11e: {  	s14 =	simm.s32 @!p1 $0x40;
	s18 =	sadd.s32 @!p1 $0x200, s16;
	[sflag:s11] =	ssyncadd.s32 $0xFFFFF000  }
0x11f: {  	[tilespmem:s22], [sflag:$0x1] =	stream.indirect.gather @!p1 [hbm4b:s3+s14], $0x40, s18, s14, $0xb8;
	[tilespmem:$0x16400] =	vst v63  }
0x120: {  	s24 =	sadd.s32 @!p1 $0x3400, s16;
	s26 =	simm.s32 @!p1 $0xE400;
	s21 =	rddreg [dreg:$0x6]  }
0x121: {  	[tilespmem:s26], [sflag:$0x1] =	stream.indirect.gather @!p1 [hbm4b:s3+s14], $0x40, s24, s14, $0xb8;
	[tilespmem:$0x16400] =	vst v63  }
0x122: {  	s18 =	sadd.s32 s13, s21  }
0x123: {  	[hbm4b:s18+s8] =	stream.strided.scatter [tilespmem:s23], [sflag:$0xD], $0x1000, s17, s8, $0x38;
	[tilespmem:$0x16400] =	vst v63  }
0x124: {  	s21 =	sadd.s32 $0x8, s18  }
0x125: {  	[hbm4b:s21+s8] =	stream.strided.scatter [tilespmem:s31], [sflag:$0xD], $0x1000, s17, s8, $0x38;
	[tilespmem:$0x16400] =	vst v63  }
0x126: {  	_ =	swait.ge [sflag:s5], $0x1000  }
0x127: {  	[sflag:s5] =	ssyncset.done $0x0  }
0x128: {  	[sflag:s5] =	ssyncadd.s32 $0xFFFFF000  }
0x129: {  	_ =	swait.ge [sflag:s5], $0x1000  }
0x12a: {  	[sflag:s5] =	ssyncset.done $0x0  }
0x12b: {  	[sflag:s5] =	ssyncadd.s32 $0xFFFFF000  }
0x12c: {  	_ =	swait.ge [sflag:s6], $0x1000  }
0x12d: {  	[sflag:s6] =	ssyncset.done $0x0  }
0x12e: {  	[sflag:s6] =	ssyncadd.s32 $0xFFFFF000  }
0x12f: {  	_ =	swait.ge [sflag:s6], $0x1000  }
0x130: {  	[sflag:s6] =	ssyncset.done $0x0  }
0x131: {  	s28 =	sadd.s32 @!p1 $0x240, s16;
	s24 =	simm.s32 @!p1 $0x7400;
	[sflag:s6] =	ssyncadd.s32 $0xFFFFF000  }
0x132: {  	[tilespmem:s24], [sflag:$0x2] =	stream.indirect.gather @!p1 [hbm4b:s3+s14], $0x40, s28, s14, $0xb8;
	[tilespmem:$0x16400] =	vst v63  }
0x133: {  	s30 =	sadd.s32 @!p1 $0x3440, s16;
	s23 =	rddreg [dreg:$0x5];
	s24 =	simm.s32 @!p1 $0xF400  }
0x134: {  	[tilespmem:s24], [sflag:$0x2] =	stream.indirect.gather @!p1 [hbm4b:s3+s14], $0x40, s30, s14, $0xb8;
	[tilespmem:$0x16400] =	vst v63  }
0x135: {  	s21 =	sadd.s32 s13, s23  }
0x136: {  	[hbm4b:s21+s8] =	stream.strided.scatter [tilespmem:s0], [sflag:$0xE], $0x1000, s17, s8, $0x38;
	[tilespmem:$0x16400] =	vst v63  }
0x137: {  	s24 =	sadd.s32 $0x8, s21  }
0x138: {  	[hbm4b:s24+s8] =	stream.strided.scatter [tilespmem:s25], [sflag:$0xE], $0x1000, s17, s8, $0x38;
	[tilespmem:$0x16400] =	vst v63  }
0x139: {  	_ =	swait.ge [sflag:s7], $0x1000  }
0x13a: {  	[sflag:s7] =	ssyncset.done $0x0  }
0x13b: {  	[sflag:s7] =	ssyncadd.s32 $0xFFFFF000  }
0x13c: {  	_ =	swait.ge [sflag:s7], $0x1000  }
0x13d: {  	[sflag:s7] =	ssyncset.done $0x0  }
0x13e: {  	[sflag:s7] =	ssyncadd.s32 $0xFFFFF000  }
0x13f: {  	_ =	swait.ge [sflag:s10], $0x1000  }
0x140: {  	[sflag:s10] =	ssyncset.done $0x0  }
0x141: {  	[sflag:s10] =	ssyncadd.s32 $0xFFFFF000  }
0x142: {  	_ =	swait.ge [sflag:s10], $0x1000  }
0x143: {  	[sflag:s10] =	ssyncset.done $0x0  }
0x144: {  	s22 =	sadd.s32 @!p1 $0x280, s16;
	s24 =	simm.s32 @!p1 $0x8400;
	[sflag:s10] =	ssyncadd.s32 $0xFFFFF000  }
0x145: {  	[tilespmem:s24], [sflag:$0x3] =	stream.indirect.gather @!p1 [hbm4b:s3+s14], $0x40, s22, s14, $0xb8;
	[tilespmem:$0x16400] =	vst v63  }
0x146: {  	s20 =	sadd.s32 @!p1 $0x3480, s16;
	s23 =	rddreg [dreg:$0x4];
	s22 =	simm.s32 @!p1 $0x10400  }
0x147: {  	[tilespmem:s22], [sflag:$0x3] =	stream.indirect.gather @!p1 [hbm4b:s3+s14], $0x40, s20, s14, $0xb8;
	[tilespmem:$0x16400] =	vst v63  }
0x148: {  	s24 =	sadd.s32 s13, s23  }
0x149: {  	[hbm4b:s24+s8] =	stream.strided.scatter [tilespmem:s29], [sflag:$0xF], $0x1000, s17, s8, $0x38;
	[tilespmem:$0x16400] =	vst v63  }
0x14a: {  	s20 =	sadd.s32 $0x8, s24  }
0x14b: {  	[hbm4b:s20+s8] =	stream.strided.scatter [tilespmem:s19], [sflag:$0xF], $0x1000, s17, s8, $0x38;
	[tilespmem:$0x16400] =	vst v63  }
0x14c: {  	_ =	swait.ge [sflag:s4], $0x1000  }
0x14d: {  	[sflag:s4] =	ssyncset.done $0x0  }
0x14e: {  	[sflag:s4] =	ssyncadd.s32 $0xFFFFF000  }
0x14f: {  	_ =	swait.ge [sflag:s4], $0x1000  }
0x150: {  	[sflag:s4] =	ssyncset.done $0x0  }
0x151: {  	[sflag:s4] =	ssyncadd.s32 $0xFFFFF000  }
0x152: {  	_ =	swait.ge [sflag:s1], $0x1000  }
0x153: {  	s12 =	sadd.s32 $0x800, s12;
	[sflag:s1] =	ssyncset.done $0x0  }
0x154: {  	p0 =	sne.s32 s12, $0xC800;
	[sflag:s1] =	ssyncadd.s32 $0xFFFFF000  }
0x155: {  	s15 =	simm.s32 $0x15400;
	s26 =	simm.s32 $0x7400;
	_ =	swait.ge [sflag:s1], $0x1000  }
0x156: {  	s18 =	sadd.s32 @!p1 $0x2C0, s16;
	s16 =	sadd.s32 @!p1 $0x34C0, s16;
	[sflag:s1] =	ssyncset.done $0x0  }
0x157: {  	s31 =	simm.s32 $0x1;
	s20 =	simm.s32 @!p1 $0x9400;
	[sflag:s1] =	ssyncadd.s32 $0xFFFFF000  }
0x158: {  	[tilespmem:s20], [sflag:$0x4] =	stream.indirect.gather @!p1 [hbm4b:s3+s14], $0x40, s18, s14, $0xb8;
	[tilespmem:$0x16400] =	vst v63  }
.Ltmp0:
0x159: {  	s28 =	simm.s32 $0xF400;
	s25 =	rddreg [dreg:$0x3];
	(pc) =	sbr.rel @p0 .LBB2_2-.Ltmp0, $4  }
0x15a: {  	s30 =	simm.s32 $0x8400;
	s24 =	simm.s32 @!p1 $0x11400;
	s29 =	sadd.s32 s13, s25  }
0x15b: {  	[tilespmem:s24], [sflag:$0x4] =	stream.indirect.gather @!p1 [hbm4b:s3+s14], $0x40, s16, s14, $0xb8;
	[tilespmem:$0x16400] =	vst v63  }
0x15c: {  	s22 =	simm.s32 $0x6400;
	s24 =	simm.s32 $0xE400;
	s16 =	sadd.s32 $0x8, s29  }
0x15d: {  	[hbm4b:s29+s8] =	stream.strided.scatter [tilespmem:s2], [sflag:$0x10], $0x1000, s17, s8, $0x38;
	[tilespmem:$0x16400] =	vst v63  }
0x15e: {  	[hbm4b:s16+s8] =	stream.strided.scatter [tilespmem:s15], [sflag:$0x10], $0x1000, s17, s8, $0x38;
	[tilespmem:$0x16400] =	vst v63  }
0x15f: {  	s0 =	simm.s32 $0xD  }
0x160: {  	_ =	swait.ge [sflag:s0], $0x1000  }
0x161: {  	[sflag:s0] =	ssyncset.done $0x0  }
0x162: {  	[sflag:s0] =	ssyncadd.s32 $0xFFFFF000  }
0x163: {  	_ =	swait.ge [sflag:s0], $0x1000  }
0x164: {  	[sflag:s0] =	ssyncset.done $0x0  }
0x165: {  	s23 =	simm.s32 $0xE;
	[sflag:s0] =	ssyncadd.s32 $0xFFFFF000  }
0x166: {  	_ =	swait.ge [sflag:s23], $0x1000  }
0x167: {  	[sflag:s23] =	ssyncset.done $0x0  }
0x168: {  	[sflag:s23] =	ssyncadd.s32 $0xFFFFF000  }
0x169: {  	_ =	swait.ge [sflag:s23], $0x1000  }
0x16a: {  	[sflag:s23] =	ssyncset.done $0x0  }
0x16b: {  	s25 =	simm.s32 $0xF;
	[sflag:s23] =	ssyncadd.s32 $0xFFFFF000  }
0x16c: {  	_ =	swait.ge [sflag:s25], $0x1000  }
0x16d: {  	[sflag:s25] =	ssyncset.done $0x0  }
0x16e: {  	[sflag:s25] =	ssyncadd.s32 $0xFFFFF000  }
0x16f: {  	_ =	swait.ge [sflag:s25], $0x1000  }
0x170: {  	[sflag:s25] =	ssyncset.done $0x0  }
0x171: {  	s29 =	simm.s32 $0x10;
	[sflag:s25] =	ssyncadd.s32 $0xFFFFF000  }
0x172: {  	_ =	swait.ge [sflag:s29], $0x1000  }
0x173: {  	[sflag:s29] =	ssyncset.done $0x0  }
0x174: {  	[sflag:s29] =	ssyncadd.s32 $0xFFFFF000  }
0x175: {  	_ =	swait.ge [sflag:s29], $0x1000  }
0x176: {  	s13 =	rddreg [dreg:$0xb]  }
0x177: {  	s12 =	rddreg [dreg:$0xa];
	s13 =	sadd.s32 $0x1, s13  }
0x178: {  	p0 =	sne.s32 s13, s12  }
.Ltmp1:
0x179: {  	_ = 	snop;
	(pc) =	sbr.rel @p0 .LBB2_1-.Ltmp1, $3  }
0x17a: {  	_ =	sdelay $0x1  }
0x17b: {  	s20 =	simm.s32 $0x10400;
	[sflag:s29] =	ssyncset.done $0x0  }
0x17c: {  	s19 =	simm.s32 $0x3;
	s0 =	simm.s32 $0x2;
	[sflag:s29] =	ssyncadd.s32 $0xFFFFF000  }
0x17d: {  	_ =	sfence.sel $0x180000  }
0x17e: {  	[bflag:$0x0] =	sbarrier.arrive $0xFFFF  }
0x17f: {  	_ =	strace $0x90000047  }
0x180: {  	s0 =	stileid.u32;
	[bflag:$0x2] =	sbarrier.arrive $0xFFFF  }
0x181: {  	p0 =	sne.s32 s0, $0x0;
	s0 =	rddreg [dreg:$0x1]  }
0x182: {  	s0 =	sadd.s32 @!p0 $0x100000, s0  }
0x183: {  	[sflag:s0] =	ssyncadd.tile.s32 @!p0 $0x1;
	_ =	shalt  }
.Lfunc_end2:
_tile_overlayer_lowered:
.L_overlay_start_2:
0x184: {  	(tag) =	ssettag $0x2  }
0x185: {  	s0 =	rddreg [dreg:$0x0];
	s2 =	stileid.u32  }
0x186: {  	s1 =	rddreg [dreg:$0x1];
	p0 =	sne.s32 s2, $0x0  }
0x187: {  	s3 =	rddreg [dreg:$0x2];
	[bflag:$0x3] =	sbarrier.arrive $0xFFFF;
	s2 =	simm.s32 @!p0 $0x1C11  }
0x188: {  	[timem:s3], [sflag:s2] =	dma.local @!p0 [hbm:s0], s1  }
0x189: {  	s0 =	simm.s32 @!p0 $0x11  }
0x18a: {  	_ =	swait.ge @!p0 [sflag:s0], s1  }
0x18b: {  	s1 =	ssub.s32 @!p0 $0x0, s1;
	[sflag:s0] =	ssyncset.done @!p0 $0x0  }
0x18c: {  	[sflag:s0] =	ssyncadd.s32 @!p0 s1  }
0x18d: {  	[bflag:$0x3] =	sbarrier.arrive $0xFFFF  }
0x18e: {  	_ =	shalt  }

</sc_bundles>
